<compile_context>
chip_gen: v7x
topology: tpu7x:2x2x1
jax: 0.10.2.dev20260603
libtpu: 0.0.44.dev20260713+nightly
codegen_flags: <defaults>
</compile_context>

<pallas_src>
import jax
import jax.numpy as jnp
from jax import lax
from jax.experimental import pallas as pl
from jax.experimental.pallas import tpu as pltpu
from jax.experimental.pallas import tpu_sc as plsc

N = 10000
E = 320000
D = 128
H = 4
OUT = 32
HID = 218
HIDP = 256
EPS = 1e-5
AW = 144
NPAD = 10240

NC = 2
NS = 16
EPW = E // (NC * NS)
BLK = 80
NBLK = EPW // BLK
RPS = NPAD // NS

f32 = jnp.float32



def _bn(hv, g, b):
    m = jnp.mean(hv, axis=0, keepdims=True)
    v = jnp.mean((hv - m) ** 2, axis=0, keepdims=True)
    return (hv - m) / jnp.sqrt(v + EPS) * g + b


def _pre_body(x_ref, W_embT, b_emb, W0t, P0, PR0, h0_ref, ze_ref, er_ref):
    h0 = jnp.dot(x_ref[...], W_embT[...]) + b_emb[...]
    h0_ref[...] = h0
    z = jnp.dot(h0, W0t[...])
    ze_ref[...] = jnp.dot(z, P0[...])
    er_ref[...] = jnp.dot(z, PR0[...])


def _dense_block(acc_ref, gb, g1, b1, fW1t, fb1, fW2t, fb2, g2, b2, EXP4):
    a = (acc_ref[0] + acc_ref[1])[:N]
    rec = 1.0 / (a[:, 128:132] + 1e-9)
    rst = a[:, :128] * jnp.dot(rec, EXP4[...]) + gb[...]
    hh = _bn(rst, g1[...], b1[...])
    ff = jnp.maximum(jnp.dot(hh, fW1t[...]) + fb1[...], 0.0)
    hh2 = jnp.dot(ff, fW2t[...]) + fb2[...]
    return _bn(hh2, g2[...], b2[...])


def _mid_body(acc_ref, gb, g1, b1, fW1t, fb1, fW2t, fb2, g2, b2, EXP4,
              W1t, P1, PR1, h1_ref, ze_ref, er_ref):
    h1 = _dense_block(acc_ref, gb, g1, b1, fW1t, fb1, fW2t, fb2, g2, b2, EXP4)
    h1_ref[...] = h1
    z1 = jnp.dot(h1, W1t[...])
    ze_ref[...] = jnp.dot(z1, P1[...])
    er_ref[...] = jnp.dot(z1, PR1[...])


def _post_body(acc_ref, gb, g1, b1, fW1t, fb1, fW2t, fb2, g2, b2, EXP4,
               h0_ref, h1_ref, M0, M1, M2, mg, mb, W2t, out_ref):
    h2 = _dense_block(acc_ref, gb, g1, b1, fW1t, fb1, fW2t, fb2, g2, b2, EXP4)
    hc = (jnp.dot(h0_ref[...], M0[...]) + jnp.dot(h1_ref[...], M1[...])
          + jnp.dot(h2, M2[...]))
    hd = jnp.maximum(_bn(hc, mg[...], mb[...]), 0.0)
    out_ref[...] = jnp.dot(hd, W2t[...])



_GDN = lax.GatherDimensionNumbers(
    offset_dims=(), collapsed_slice_dims=(0,), start_index_map=(0,))


def _lane_bcast(w, idx16):
    return lax.gather(w, idx16[:, None], _GDN, slice_sizes=(1,),
                      mode=lax.GatherScatterMode.PROMISE_IN_BOUNDS)

def _edge_body(ze_hbm, er_hbm, src_hbm, dst_hbm, acc_hbm,
               acc_sh, ze_v, er_v, src_v, dst_v):
    c = lax.axis_index("c")
    s = lax.axis_index("s")
    r0 = s * RPS
    zv = jnp.zeros((16,), f32)

    @pl.loop(0, BLK)
    def _zr(i):
        for j in range(AW // 16):
            ze_v[i, pl.ds(j * 16, 16)] = zv

    @pl.loop(0, RPS // BLK)
    def _zc(i):
        pltpu.sync_copy(ze_v, acc_sh.at[pl.ds(r0 + i * BLK, BLK)])

    plsc.subcore_barrier()

    mask4 = lax.iota(jnp.int32, 16) < 4
    bidx = [jnp.full((16,), h, jnp.int32) for h in range(H)]
    base0 = c * (E // NC) + s * EPW

    @pl.loop(0, NBLK)
    def _blk(b):
        base = base0 + b * BLK
        pltpu.sync_copy(src_hbm.at[pl.ds(base, BLK)], src_v)
        pltpu.sync_copy(dst_hbm.at[pl.ds(base, BLK)], dst_v)
        pltpu.sync_copy(ze_hbm.at[src_v], ze_v)
        pltpu.sync_copy(er_hbm.at[dst_v], er_v)

        @pl.loop(0, BLK)
        def _e(e):
            u = ze_v[e, pl.ds(128, 16)] + er_v[e, :]
            t = jnp.where(u > 0, u, 0.2 * u)
            w = jnp.where(mask4, jnp.exp(t), 0.0)
            ze_v[e, pl.ds(128, 16)] = w
            for h in range(H):
                wh = _lane_bcast(w, bidx[h])
                for k in range(2):
                    sl = pl.ds(h * 32 + k * 16, 16)
                    ze_v[e, sl] = ze_v[e, sl] * wh

        pltpu.sync_copy(ze_v, acc_sh.at[dst_v], add=True)

    plsc.subcore_barrier()

    @pl.loop(0, RPS // BLK)
    def _wb(i):
        pltpu.sync_copy(acc_sh.at[pl.ds(r0 + i * BLK, BLK)], ze_v)
        pltpu.sync_copy(ze_v, acc_hbm.at[c, pl.ds(r0 + i * BLK, BLK)])


def _edge_pass(ze, er, src, dst):
    mesh = plsc.VectorSubcoreMesh(core_axis_name="c", subcore_axis_name="s")
    kfn = pl.kernel(
        _edge_body,
        out_type=jax.ShapeDtypeStruct((NC, NPAD, AW), f32),
        mesh=mesh,
        compiler_params=pltpu.CompilerParams(use_tc_tiling_on_sc=False),
        scratch_types=[
            pltpu.VMEM_SHARED((NPAD, AW), f32),
            pltpu.VMEM((BLK, AW), f32),
            pltpu.VMEM((BLK, 16), f32),
            pltpu.VMEM((BLK,), jnp.int32),
            pltpu.VMEM((BLK,), jnp.int32),
        ],
    )
    return kfn(ze, er, src, dst)



def _head_pack(attn):
    eye4 = jnp.eye(H, dtype=f32)
    return (attn[:, :, None] * eye4[:, None, :]).reshape(H * OUT, H)


def _pack_mats(gat_W, attn_l, attn_r):
    Wt = gat_W.T
    AL = _head_pack(attn_l)
    AR = _head_pack(attn_r)
    P = jnp.concatenate([jnp.eye(D, dtype=f32), AL, jnp.zeros((D, 12), f32)], axis=1)
    PR = jnp.concatenate([AR, jnp.zeros((D, 12), f32)], axis=1)
    return Wt, P, PR


def _pad_ff(ff_W1, ff_b1, ff_W2):
    fW1t = jnp.zeros((D, HIDP), f32).at[:, :HID].set(ff_W1.T)
    fb1 = jnp.zeros((1, HIDP), f32).at[:, :HID].set(ff_b1[None, :])
    fW2t = jnp.zeros((HIDP, D), f32).at[:HID, :].set(ff_W2.T)
    return fW1t, fb1, fW2t


def kernel(x, edge_index, W_emb, b_emb, gat_W_0, attn_l_0, attn_r_0, gat_b_0,
           bn1_g_0, bn1_b_0, ff_W1_0, ff_b1_0, ff_W2_0, ff_b2_0, bn2_g_0,
           bn2_b_0, gat_W_1, attn_l_1, attn_r_1, gat_b_1, bn1_g_1, bn1_b_1,
           ff_W1_1, ff_b1_1, ff_W2_1, ff_b2_1, bn2_g_1, bn2_b_1, mlp_W1,
           mlp_bn_g, mlp_bn_b, mlp_W2):
    src = edge_index[0]
    dst = edge_index[1]
    r2 = lambda v: v[None, :]

    W0t, P0, PR0 = _pack_mats(gat_W_0, attn_l_0, attn_r_0)
    W1t, P1, PR1 = _pack_mats(gat_W_1, attn_l_1, attn_r_1)
    fW1t_0, fb1_0, fW2t_0 = _pad_ff(ff_W1_0, ff_b1_0, ff_W2_0)
    fW1t_1, fb1_1, fW2t_1 = _pad_ff(ff_W1_1, ff_b1_1, ff_W2_1)
    EXP4 = jnp.repeat(jnp.eye(H, dtype=f32), OUT, axis=1)
    M0 = mlp_W1[:, 0:128].T
    M1 = mlp_W1[:, 128:256].T
    M2 = mlp_W1[:, 256:384].T

    h0, ze0, er0 = pl.pallas_call(
        _pre_body,
        out_shape=[
            jax.ShapeDtypeStruct((N, D), f32),
            jax.ShapeDtypeStruct((N, AW), f32),
            jax.ShapeDtypeStruct((N, 16), f32),
        ],
    )(x, W_emb.T, r2(b_emb), W0t, P0, PR0)

    acc0 = _edge_pass(ze0, er0, src, dst)

    h1, ze1, er1 = pl.pallas_call(
        _mid_body,
        out_shape=[
            jax.ShapeDtypeStruct((N, D), f32),
            jax.ShapeDtypeStruct((N, AW), f32),
            jax.ShapeDtypeStruct((N, 16), f32),
        ],
    )(acc0, r2(gat_b_0), r2(bn1_g_0), r2(bn1_b_0), fW1t_0, fb1_0, fW2t_0,
      r2(ff_b2_0), r2(bn2_g_0), r2(bn2_b_0), EXP4, W1t, P1, PR1)

    acc1 = _edge_pass(ze1, er1, src, dst)

    out = pl.pallas_call(
        _post_body,
        out_shape=jax.ShapeDtypeStruct((N, 1), f32),
    )(acc1, r2(gat_b_1), r2(bn1_g_1), r2(bn1_b_1), fW1t_1, fb1_1, fW2t_1,
      r2(ff_b2_1), r2(bn2_g_1), r2(bn2_b_1), EXP4, h0, h1, M0, M1, M2,
      r2(mlp_bn_g), r2(mlp_bn_b), mlp_W2.T)

    return out

# --- scband reference (transcript-rebuilt; emitter-appended) ---
"""Pipeline reference for scband-edge-property-prediction-model3-5360119185644 (READ-ONLY COPY).

The authoritative reference and input builder live on the scoring server;
editing this copy changes nothing except your own understanding.
"""

import jax, jax.numpy as jnp
import numpy as np

N = 10000
E = 320000
D = 128
H = 4
OUT = D // H
HID = 218
ODIM = 1
EPS = 1e-5


def _bn(h, g, b):
    m = jnp.mean(h, axis=0)
    v = jnp.var(h, axis=0)
    return (h - m) / jnp.sqrt(v + EPS) * g + b


def _gat(h, src, dst, W, al, ar, bias):
    z = (h @ W.T).reshape(N, H, OUT)
    el = jnp.sum(z * al[None, :, :], axis=-1)
    er = jnp.sum(z * ar[None, :, :], axis=-1)
    e = el[src] + er[dst]
    e = jnp.where(e > 0, e, 0.2 * e)
    m = jax.ops.segment_max(e, dst, num_segments=N)
    m = jax.lax.stop_gradient(jnp.where(jnp.isfinite(m), m, 0.0))
    ex = jnp.exp(e - m[dst])
    s = jax.ops.segment_sum(ex, dst, num_segments=N)
    alpha = ex / (s[dst] + 1e-9)
    msg = alpha[:, :, None] * z[src]
    rst = jax.ops.segment_sum(msg, dst, num_segments=N)
    return rst.reshape(N, H * OUT) + bias


def setup_inputs(seed: int = 0):
    key = jax.random.key(seed)
    ks = jax.random.split(key, 32)
    inp = {}
    inp["x"] = jax.random.normal(ks[0], (N, D), dtype=jnp.float32)
    inp["edge_index"] = jax.random.randint(ks[1], (2, E), 0, N, dtype=jnp.int32)
    inp["W_emb"] = jax.random.normal(ks[2], (D, D), dtype=jnp.float32) * 0.05
    inp["b_emb"] = jnp.zeros((D,), dtype=jnp.float32)
    i = 3
    for l in range(2):
        inp[f"gat_W_{l}"] = jax.random.normal(ks[i], (H * OUT, D), dtype=jnp.float32) * 0.05; i += 1
        inp[f"attn_l_{l}"] = jax.random.normal(ks[i], (H, OUT), dtype=jnp.float32) * 0.05; i += 1
        inp[f"attn_r_{l}"] = jax.random.normal(ks[i], (H, OUT), dtype=jnp.float32) * 0.05; i += 1
        inp[f"gat_b_{l}"] = jnp.zeros((H * OUT,), dtype=jnp.float32)
        inp[f"bn1_g_{l}"] = jnp.ones((D,), dtype=jnp.float32)
        inp[f"bn1_b_{l}"] = jnp.zeros((D,), dtype=jnp.float32)
        inp[f"ff_W1_{l}"] = jax.random.normal(ks[i], (HID, D), dtype=jnp.float32) * 0.05; i += 1
        inp[f"ff_b1_{l}"] = jnp.zeros((HID,), dtype=jnp.float32)
        inp[f"ff_W2_{l}"] = jax.random.normal(ks[i], (D, HID), dtype=jnp.float32) * 0.05; i += 1
        inp[f"ff_b2_{l}"] = jnp.zeros((D,), dtype=jnp.float32)
        inp[f"bn2_g_{l}"] = jnp.ones((D,), dtype=jnp.float32)
        inp[f"bn2_b_{l}"] = jnp.zeros((D,), dtype=jnp.float32)
    inp["mlp_W1"] = jax.random.normal(ks[i], (D, D * 3), dtype=jnp.float32) * 0.05; i += 1
    inp["mlp_bn_g"] = jnp.ones((D,), dtype=jnp.float32)
    inp["mlp_bn_b"] = jnp.zeros((D,), dtype=jnp.float32)
    inp["mlp_W2"] = jax.random.normal(ks[i], (ODIM, D), dtype=jnp.float32) * 0.05
    return inp


def reference(x, edge_index, W_emb, b_emb, gat_W_0, attn_l_0, attn_r_0, gat_b_0, bn1_g_0, bn1_b_0, ff_W1_0, ff_b1_0, ff_W2_0, ff_b2_0, bn2_g_0, bn2_b_0, gat_W_1, attn_l_1, attn_r_1, gat_b_1, bn1_g_1, bn1_b_1, ff_W1_1, ff_b1_1, ff_W2_1, ff_b2_1, bn2_g_1, bn2_b_1, mlp_W1, mlp_bn_g, mlp_bn_b, mlp_W2):
    src = edge_index[0]
    dst = edge_index[1]
    layers = [
        (gat_W_0, attn_l_0, attn_r_0, gat_b_0, bn1_g_0, bn1_b_0, ff_W1_0, ff_b1_0, ff_W2_0, ff_b2_0, bn2_g_0, bn2_b_0),
        (gat_W_1, attn_l_1, attn_r_1, gat_b_1, bn1_g_1, bn1_b_1, ff_W1_1, ff_b1_1, ff_W2_1, ff_b2_1, bn2_g_1, bn2_b_1),
    ]
    h = x @ W_emb.T + b_emb
    xs = [h]
    for (W, al, ar, gb, g1, b1, fW1, fb1, fW2, fb2, g2, b2) in layers:
        hh = _gat(h, src, dst, W, al, ar, gb)
        hh = _bn(hh, g1, b1)
        hh = jnp.maximum(hh @ fW1.T + fb1, 0.0)
        hh = hh @ fW2.T + fb2
        hh = _bn(hh, g2, b2)
        h = hh
        xs.append(h)
    hc = jnp.concatenate(xs, axis=-1)
    hd = jnp.maximum(_bn(hc @ mlp_W1.T, mlp_bn_g, mlp_bn_b), 0.0)
    out = hd @ mlp_W2.T
    return out

if __name__ == "__main__":
    import jax
    _d = setup_inputs()
    print(jax.jit(kernel)(*tuple(_d.values())))

</pallas_src>

<mosaic_0001>
#map = affine_map<(d0, d1) -> (0, 0)>
#map1 = affine_map<(d0, d1) -> (0)>
#map2 = affine_map<(d0, d1) -> (0, 0, 0)>
module attributes {stable_mosaic.version = 14 : i64} {
  func.func @_edge_body(%arg0: i32, %arg1: i32, %arg2: memref<10000x144xf32, #tpu.memory_space<hbm>>, %arg3: memref<10000x16xf32, #tpu.memory_space<hbm>>, %arg4: memref<320000xi32, #tpu.memory_space<hbm>>, %arg5: memref<320000xi32, #tpu.memory_space<hbm>>, %arg6: memref<2x10240x144xf32, #tpu.memory_space<hbm>>, %arg7: memref<10240x144xf32, #tpu.memory_space<vmem_shared>>, %arg8: memref<80x144xf32, #tpu.memory_space<vmem>>, %arg9: memref<80x16xf32, #tpu.memory_space<vmem>>, %arg10: memref<80xi32, #tpu.memory_space<vmem>>, %arg11: memref<80xi32, #tpu.memory_space<vmem>>) attributes {dimension_semantics = [#tpu.dimension_semantics<core_parallel>, #tpu.dimension_semantics<subcore_parallel>], iteration_bounds = array<i64: 2, 16>, scalar_prefetch = 0 : i64, scratch_operands = 5 : i64, tpu.core_type = #tpu.core_type<sc_vector_subcore>, window_params = [{transform_indices = #map}, {transform_indices = #map}, {transform_indices = #map1}, {transform_indices = #map1}, {transform_indices = #map2}]} {
    %mul3A = arith.constant 640 : i32
    %mul3A_0 = arith.muli %arg1, %mul3A : i32
    %broadcast_in_dim3A = arith.constant 0.000000e+00 : f32
    %broadcast_in_dim3A_1 = vector.broadcast %broadcast_in_dim3A : f32 to vector<16xf32>
    %scan3A = arith.constant 0 : i32
    %scan3A_2 = arith.constant 80 : i32
    %scan3A_3 = arith.addi %scan3A, %scan3A_2 : i32
    %scan3A_4 = arith.constant 1 : i32
    scf.for %scan3A_36 = %scan3A to %scan3A_3 step %scan3A_4  : i32 {
      %mul3A_37 = arith.constant 1 : i32
      %mul3A_38 = arith.muli %scan3A_36, %mul3A_37 : i32
      %add3A_39 = arith.constant 0 : i32
      %add3A_40 = arith.addi %add3A_39, %mul3A_38 : i32
      %swap3A = arith.index_cast %add3A_40 : i32 to index
      %swap3A_41 = arith.constant 0 : index
      %swap3A_42 = tpu.vector_load %arg8[%swap3A, %swap3A_41] {strides = array<i32>} : memref<80x144xf32, #tpu.memory_space<vmem>>, vector<1x16xf32>,
      %swap3A_43 = vector.shape_cast %swap3A_42 : vector<1x16xf32> to vector<16xf32>
      %swap3A_44 = vector.shape_cast %broadcast_in_dim3A_1 : vector<16xf32> to vector<1x16xf32>
      tpu.vector_store %arg8[%swap3A, %swap3A_41], %swap3A_44 {strides = array<i32>} : memref<80x144xf32, #tpu.memory_space<vmem>>, vector<1x16xf32>,
      %swap3A_45 = arith.index_cast %add3A_40 : i32 to index
      %swap3A_46 = arith.constant 16 : index
      %swap3A_47 = tpu.vector_load %arg8[%swap3A_45, %swap3A_46] {strides = array<i32>} : memref<80x144xf32, #tpu.memory_space<vmem>>, vector<1x16xf32>,
      %swap3A_48 = vector.shape_cast %swap3A_47 : vector<1x16xf32> to vector<16xf32>
      %swap3A_49 = vector.shape_cast %broadcast_in_dim3A_1 : vector<16xf32> to vector<1x16xf32>
      tpu.vector_store %arg8[%swap3A_45, %swap3A_46], %swap3A_49 {strides = array<i32>} : memref<80x144xf32, #tpu.memory_space<vmem>>, vector<1x16xf32>,
      %swap3A_50 = arith.index_cast %add3A_40 : i32 to index
      %swap3A_51 = arith.constant 32 : index
      %swap3A_52 = tpu.vector_load %arg8[%swap3A_50, %swap3A_51] {strides = array<i32>} : memref<80x144xf32, #tpu.memory_space<vmem>>, vector<1x16xf32>,
      %swap3A_53 = vector.shape_cast %swap3A_52 : vector<1x16xf32> to vector<16xf32>
      %swap3A_54 = vector.shape_cast %broadcast_in_dim3A_1 : vector<16xf32> to vector<1x16xf32>
      tpu.vector_store %arg8[%swap3A_50, %swap3A_51], %swap3A_54 {strides = array<i32>} : memref<80x144xf32, #tpu.memory_space<vmem>>, vector<1x16xf32>,
      %swap3A_55 = arith.index_cast %add3A_40 : i32 to index
      %swap3A_56 = arith.constant 48 : index
      %swap3A_57 = tpu.vector_load %arg8[%swap3A_55, %swap3A_56] {strides = array<i32>} : memref<80x144xf32, #tpu.memory_space<vmem>>, vector<1x16xf32>,
      %swap3A_58 = vector.shape_cast %swap3A_57 : vector<1x16xf32> to vector<16xf32>
      %swap3A_59 = vector.shape_cast %broadcast_in_dim3A_1 : vector<16xf32> to vector<1x16xf32>
      tpu.vector_store %arg8[%swap3A_55, %swap3A_56], %swap3A_59 {strides = array<i32>} : memref<80x144xf32, #tpu.memory_space<vmem>>, vector<1x16xf32>,
      %swap3A_60 = arith.index_cast %add3A_40 : i32 to index
      %swap3A_61 = arith.constant 64 : index
      %swap3A_62 = tpu.vector_load %arg8[%swap3A_60, %swap3A_61] {strides = array<i32>} : memref<80x144xf32, #tpu.memory_space<vmem>>, vector<1x16xf32>,
      %swap3A_63 = vector.shape_cast %swap3A_62 : vector<1x16xf32> to vector<16xf32>
      %swap3A_64 = vector.shape_cast %broadcast_in_dim3A_1 : vector<16xf32> to vector<1x16xf32>
      tpu.vector_store %arg8[%swap3A_60, %swap3A_61], %swap3A_64 {strides = array<i32>} : memref<80x144xf32, #tpu.memory_space<vmem>>, vector<1x16xf32>,
      %swap3A_65 = arith.index_cast %add3A_40 : i32 to index
      %swap3A_66 = arith.constant 80 : index
      %swap3A_67 = tpu.vector_load %arg8[%swap3A_65, %swap3A_66] {strides = array<i32>} : memref<80x144xf32, #tpu.memory_space<vmem>>, vector<1x16xf32>,
      %swap3A_68 = vector.shape_cast %swap3A_67 : vector<1x16xf32> to vector<16xf32>
      %swap3A_69 = vector.shape_cast %broadcast_in_dim3A_1 : vector<16xf32> to vector<1x16xf32>
      tpu.vector_store %arg8[%swap3A_65, %swap3A_66], %swap3A_69 {strides = array<i32>} : memref<80x144xf32, #tpu.memory_space<vmem>>, vector<1x16xf32>,
      %swap3A_70 = arith.index_cast %add3A_40 : i32 to index
      %swap3A_71 = arith.constant 96 : index
      %swap3A_72 = tpu.vector_load %arg8[%swap3A_70, %swap3A_71] {strides = array<i32>} : memref<80x144xf32, #tpu.memory_space<vmem>>, vector<1x16xf32>,
      %swap3A_73 = vector.shape_cast %swap3A_72 : vector<1x16xf32> to vector<16xf32>
      %swap3A_74 = vector.shape_cast %broadcast_in_dim3A_1 : vector<16xf32> to vector<1x16xf32>
      tpu.vector_store %arg8[%swap3A_70, %swap3A_71], %swap3A_74 {strides = array<i32>} : memref<80x144xf32, #tpu.memory_space<vmem>>, vector<1x16xf32>,
      %swap3A_75 = arith.index_cast %add3A_40 : i32 to index
      %swap3A_76 = arith.constant 112 : index
      %swap3A_77 = tpu.vector_load %arg8[%swap3A_75, %swap3A_76] {strides = array<i32>} : memref<80x144xf32, #tpu.memory_space<vmem>>, vector<1x16xf32>,
      %swap3A_78 = vector.shape_cast %swap3A_77 : vector<1x16xf32> to vector<16xf32>
      %swap3A_79 = vector.shape_cast %broadcast_in_dim3A_1 : vector<16xf32> to vector<1x16xf32>
      tpu.vector_store %arg8[%swap3A_75, %swap3A_76], %swap3A_79 {strides = array<i32>} : memref<80x144xf32, #tpu.memory_space<vmem>>, vector<1x16xf32>,
      %swap3A_80 = arith.index_cast %add3A_40 : i32 to index
      %swap3A_81 = arith.constant 128 : index
      %swap3A_82 = tpu.vector_load %arg8[%swap3A_80, %swap3A_81] {strides = array<i32>} : memref<80x144xf32, #tpu.memory_space<vmem>>, vector<1x16xf32>,
      %swap3A_83 = vector.shape_cast %swap3A_82 : vector<1x16xf32> to vector<16xf32>
      %swap3A_84 = vector.shape_cast %broadcast_in_dim3A_1 : vector<16xf32> to vector<1x16xf32>
      tpu.vector_store %arg8[%swap3A_80, %swap3A_81], %swap3A_84 {strides = array<i32>} : memref<80x144xf32, #tpu.memory_space<vmem>>, vector<1x16xf32>,
    }
    %scan3A_5 = arith.constant 80 : i32
    %scan3A_6 = arith.constant 0 : i32
    %scan3A_7 = arith.constant 8 : i32
    %scan3A_8 = arith.addi %scan3A_6, %scan3A_7 : i32
    %scan3A_9 = arith.constant 1 : i32
    scf.for %scan3A_36 = %scan3A_6 to %scan3A_8 step %scan3A_9  : i32 {
      %mul3A_37 = arith.constant 1 : i32
      %mul3A_38 = arith.muli %scan3A_36, %mul3A_37 : i32
      %add3A_39 = arith.constant 0 : i32
      %add3A_40 = arith.addi %add3A_39, %mul3A_38 : i32
      %mul3A_41 = arith.constant 80 : i32
      %mul3A_42 = arith.muli %add3A_40, %mul3A_41 : i32
      %add3A_43 = arith.addi %mul3A_0, %mul3A_42 : i32
      "tpu.region"() ({
        %run_scoped3A = tpu.sem_alloc : memref<!tpu.dma_semaphore, #tpu.memory_space<semaphore_mem>>
        %dma_start3A = arith.constant 0 : i32
        %dma_start3A_44 = tpu.memref_slice %arg7[%add3A_43, %dma_start3A] : memref<10240x144xf32, #tpu.memory_space<vmem_shared>> -> memref<80x144xf32, #tpu.memory_space<vmem_shared>>
        %dma_start3A_45 = arith.constant 0 : i32
        %dma_start3A_46 = tpu.memref_slice %arg7[%add3A_43, %dma_start3A_45] : memref<10240x144xf32, #tpu.memory_space<vmem_shared>> -> memref<80x144xf32, #tpu.memory_space<vmem_shared>>
        tpu.enqueue_dma source(%arg8 : memref<80x144xf32, #tpu.memory_space<vmem>>) target(%dma_start3A_46 : memref<80x144xf32, #tpu.memory_space<vmem_shared>>) target_semaphore(%run_scoped3A : memref<!tpu.dma_semaphore, #tpu.memory_space<semaphore_mem>>)
        %dma_wait3A = arith.constant 0 : i32
        %dma_wait3A_47 = tpu.memref_slice %arg7[%add3A_43, %dma_wait3A] : memref<10240x144xf32, #tpu.memory_space<vmem_shared>> -> memref<80x144xf32, #tpu.memory_space<vmem_shared>>
        %dma_wait3A_48 = arith.constant 0 : i32
        %dma_wait3A_49 = tpu.memref_slice %arg7[%add3A_43, %dma_wait3A_48] : memref<10240x144xf32, #tpu.memory_space<vmem_shared>> -> memref<80x144xf32, #tpu.memory_space<vmem_shared>>
        tpu.wait_dma2 semaphore(%run_scoped3A : memref<!tpu.dma_semaphore, #tpu.memory_space<semaphore_mem>>) src(%arg8 : memref<80x144xf32, #tpu.memory_space<vmem>>) dst(%dma_wait3A_49 : memref<80x144xf32, #tpu.memory_space<vmem_shared>>)
        tpu.yield
      }) : () -> ()
    }
    %scan3A_10 = arith.constant 8 : i32
    %barrier3A = arith.constant 0 : index
    tpu.barrier barrier_id(%barrier3A)
    %iota3A = tpu.iota {dimensions = array<i32: 0>} : vector<16xi32>
    %lt3A = arith.constant 4 : i32
    %lt3A_11 = vector.broadcast %lt3A : i32 to vector<16xi32>
    %lt3A_12 = arith.cmpi slt, %iota3A, %lt3A_11 : vector<16xi32>
    %broadcast_in_dim3A_13 = arith.constant 0 : i32
    %broadcast_in_dim3A_14 = vector.broadcast %broadcast_in_dim3A_13 : i32 to vector<16xi32>
    %broadcast_in_dim3A_15 = arith.constant 1 : i32
    %broadcast_in_dim3A_16 = vector.broadcast %broadcast_in_dim3A_15 : i32 to vector<16xi32>
    %broadcast_in_dim3A_17 = arith.constant 2 : i32
    %broadcast_in_dim3A_18 = vector.broadcast %broadcast_in_dim3A_17 : i32 to vector<16xi32>
    %broadcast_in_dim3A_19 = arith.constant 3 : i32
    %broadcast_in_dim3A_20 = vector.broadcast %broadcast_in_dim3A_19 : i32 to vector<16xi32>
    %mul3A_21 = arith.constant 160000 : i32
    %mul3A_22 = arith.muli %arg0, %mul3A_21 : i32
    %mul3A_23 = arith.constant 10000 : i32
    %mul3A_24 = arith.muli %arg1, %mul3A_23 : i32
    %add3A = arith.addi %mul3A_22, %mul3A_24 : i32
    %scan3A_25 = arith.constant 0 : i32
    %scan3A_26 = arith.constant 125 : i32
    %scan3A_27 = arith.addi %scan3A_25, %scan3A_26 : i32
    %scan3A_28 = arith.constant 1 : i32
    scf.for %scan3A_36 = %scan3A_25 to %scan3A_27 step %scan3A_28  : i32 {
      %mul3A_37 = arith.constant 1 : i32
      %mul3A_38 = arith.muli %scan3A_36, %mul3A_37 : i32
      %add3A_39 = arith.constant 0 : i32
      %add3A_40 = arith.addi %add3A_39, %mul3A_38 : i32
      %mul3A_41 = arith.constant 80 : i32
      %mul3A_42 = arith.muli %add3A_40, %mul3A_41 : i32
      %add3A_43 = arith.addi %add3A, %mul3A_42 : i32
      "tpu.region"() ({
        %run_scoped3A = tpu.sem_alloc : memref<!tpu.dma_semaphore, #tpu.memory_space<semaphore_mem>>
        %dma_start3A = tpu.memref_slice %arg4[%add3A_43] : memref<320000xi32, #tpu.memory_space<hbm>> -> memref<80xi32, #tpu.memory_space<hbm>>
        %dma_start3A_49 = tpu.memref_slice %arg4[%add3A_43] : memref<320000xi32, #tpu.memory_space<hbm>> -> memref<80xi32, #tpu.memory_space<hbm>>
        tpu.enqueue_dma source(%dma_start3A_49 : memref<80xi32, #tpu.memory_space<hbm>>) target(%arg10 : memref<80xi32, #tpu.memory_space<vmem>>) target_semaphore(%run_scoped3A : memref<!tpu.dma_semaphore, #tpu.memory_space<semaphore_mem>>)
        %dma_wait3A = tpu.memref_slice %arg4[%add3A_43] : memref<320000xi32, #tpu.memory_space<hbm>> -> memref<80xi32, #tpu.memory_space<hbm>>
        %dma_wait3A_50 = tpu.memref_slice %arg4[%add3A_43] : memref<320000xi32, #tpu.memory_space<hbm>> -> memref<80xi32, #tpu.memory_space<hbm>>
        tpu.wait_dma2 semaphore(%run_scoped3A : memref<!tpu.dma_semaphore, #tpu.memory_space<semaphore_mem>>) src(%dma_wait3A_50 : memref<80xi32, #tpu.memory_space<hbm>>) dst(%arg10 : memref<80xi32, #tpu.memory_space<vmem>>)
        tpu.yield
      }) : () -> ()
      "tpu.region"() ({
        %run_scoped3A = tpu.sem_alloc : memref<!tpu.dma_semaphore, #tpu.memory_space<semaphore_mem>>
        %dma_start3A = tpu.memref_slice %arg5[%add3A_43] : memref<320000xi32, #tpu.memory_space<hbm>> -> memref<80xi32, #tpu.memory_space<hbm>>
        %dma_start3A_49 = tpu.memref_slice %arg5[%add3A_43] : memref<320000xi32, #tpu.memory_space<hbm>> -> memref<80xi32, #tpu.memory_space<hbm>>
        tpu.enqueue_dma source(%dma_start3A_49 : memref<80xi32, #tpu.memory_space<hbm>>) target(%arg11 : memref<80xi32, #tpu.memory_space<vmem>>) target_semaphore(%run_scoped3A : memref<!tpu.dma_semaphore, #tpu.memory_space<semaphore_mem>>)
        %dma_wait3A = tpu.memref_slice %arg5[%add3A_43] : memref<320000xi32, #tpu.memory_space<hbm>> -> memref<80xi32, #tpu.memory_space<hbm>>
        %dma_wait3A_50 = tpu.memref_slice %arg5[%add3A_43] : memref<320000xi32, #tpu.memory_space<hbm>> -> memref<80xi32, #tpu.memory_space<hbm>>
        tpu.wait_dma2 semaphore(%run_scoped3A : memref<!tpu.dma_semaphore, #tpu.memory_space<semaphore_mem>>) src(%dma_wait3A_50 : memref<80xi32, #tpu.memory_space<hbm>>) dst(%arg11 : memref<80xi32, #tpu.memory_space<vmem>>)
        tpu.yield
      }) : () -> ()
      "tpu.region"() ({
        %run_scoped3A = tpu.sem_alloc : memref<!tpu.dma_semaphore, #tpu.memory_space<semaphore_mem>>
        %dma_start3A = arith.constant 0 : i32
        %dma_start3A_49 = arith.constant 0 : i32
        %dma_start3A_50 = tpu.memref_slice %arg2[%dma_start3A, %dma_start3A_49] : memref<10000x144xf32, #tpu.memory_space<hbm>> -> memref<10000x144xf32, #tpu.memory_space<hbm>>
        tpu.enqueue_indirect_dma source(%dma_start3A_50 : memref<10000x144xf32, #tpu.memory_space<hbm>>) target(%arg8 : memref<80x144xf32, #tpu.memory_space<vmem>>) offsets(%arg10 : memref<80xi32, #tpu.memory_space<vmem>>) semaphore(%run_scoped3A : memref<!tpu.dma_semaphore, #tpu.memory_space<semaphore_mem>>)
        %dma_wait3A = arith.constant 0 : i32
        %dma_wait3A_51 = arith.constant 0 : i32
        %dma_wait3A_52 = tpu.memref_slice %arg2[%dma_wait3A, %dma_wait3A_51] : memref<10000x144xf32, #tpu.memory_space<hbm>> -> memref<10000x144xf32, #tpu.memory_space<hbm>>
        tpu.wait_indirect_dma semaphore(%run_scoped3A : memref<!tpu.dma_semaphore, #tpu.memory_space<semaphore_mem>>) src(%dma_wait3A_52 : memref<10000x144xf32, #tpu.memory_space<hbm>>) dst(%arg8 : memref<80x144xf32, #tpu.memory_space<vmem>>)
        tpu.yield
      }) : () -> ()
      "tpu.region"() ({
        %run_scoped3A = tpu.sem_alloc : memref<!tpu.dma_semaphore, #tpu.memory_space<semaphore_mem>>
        %dma_start3A = arith.constant 0 : i32
        %dma_start3A_49 = arith.constant 0 : i32
        %dma_start3A_50 = tpu.memref_slice %arg3[%dma_start3A, %dma_start3A_49] : memref<10000x16xf32, #tpu.memory_space<hbm>> -> memref<10000x16xf32, #tpu.memory_space<hbm>>
        tpu.enqueue_indirect_dma source(%dma_start3A_50 : memref<10000x16xf32, #tpu.memory_space<hbm>>) target(%arg9 : memref<80x16xf32, #tpu.memory_space<vmem>>) offsets(%arg11 : memref<80xi32, #tpu.memory_space<vmem>>) semaphore(%run_scoped3A : memref<!tpu.dma_semaphore, #tpu.memory_space<semaphore_mem>>)
        %dma_wait3A = arith.constant 0 : i32
        %dma_wait3A_51 = arith.constant 0 : i32
        %dma_wait3A_52 = tpu.memref_slice %arg3[%dma_wait3A, %dma_wait3A_51] : memref<10000x16xf32, #tpu.memory_space<hbm>> -> memref<10000x16xf32, #tpu.memory_space<hbm>>
        tpu.wait_indirect_dma semaphore(%run_scoped3A : memref<!tpu.dma_semaphore, #tpu.memory_space<semaphore_mem>>) src(%dma_wait3A_52 : memref<10000x16xf32, #tpu.memory_space<hbm>>) dst(%arg9 : memref<80x16xf32, #tpu.memory_space<vmem>>)
        tpu.yield
      }) : () -> ()
      %scan3A_44 = arith.constant 0 : i32
      %scan3A_45 = arith.constant 80 : i32
      %scan3A_46 = arith.addi %scan3A_44, %scan3A_45 : i32
      %scan3A_47 = arith.constant 1 : i32
      scf.for %scan3A_49 = %scan3A_44 to %scan3A_46 step %scan3A_47  : i32 {
        %mul3A_50 = arith.constant 1 : i32
        %mul3A_51 = arith.muli %scan3A_49, %mul3A_50 : i32
        %add3A_52 = arith.constant 0 : i32
        %add3A_53 = arith.addi %add3A_52, %mul3A_51 : i32
        %get3A = arith.index_cast %add3A_53 : i32 to index
        %get3A_54 = arith.constant 128 : index
        %get3A_55 = tpu.vector_load %arg8[%get3A, %get3A_54] {strides = array<i32>} : memref<80x144xf32, #tpu.memory_space<vmem>>, vector<1x16xf32>,
        %get3A_56 = vector.shape_cast %get3A_55 : vector<1x16xf32> to vector<16xf32>
        %get3A_57 = arith.index_cast %add3A_53 : i32 to index
        %get3A_58 = arith.constant 0 : index
        %get3A_59 = tpu.vector_load %arg9[%get3A_57, %get3A_58] {strides = array<i32>} : memref<80x16xf32, #tpu.memory_space<vmem>>, vector<1x16xf32>,
        %get3A_60 = vector.shape_cast %get3A_59 : vector<1x16xf32> to vector<16xf32>
        %add3A_61 = arith.addf %get3A_56, %get3A_60 : vector<16xf32>
        %gt3A = arith.constant 0.000000e+00 : f32
        %gt3A_62 = vector.broadcast %gt3A : f32 to vector<16xf32>
        %gt3A_63 = arith.cmpf ogt, %add3A_61, %gt3A_62 : vector<16xf32>
        %mul3A_64 = arith.constant 2.000000e-01 : f32
        %mul3A_65 = vector.broadcast %mul3A_64 : f32 to vector<16xf32>
        %mul3A_66 = arith.mulf %mul3A_65, %add3A_61 : vector<16xf32>
        %select_n3A = arith.select %gt3A_63, %add3A_61, %mul3A_66 : vector<16xi1>, vector<16xf32>
        %exp3A = math.exp %select_n3A : vector<16xf32>
        %jit3A = arith.constant 0.000000e+00 : f32
        %broadcast_in_dim3A_67 = vector.broadcast %jit3A : f32 to vector<16xf32>
        %select_n3A_68 = arith.select %lt3A_12, %exp3A, %broadcast_in_dim3A_67 : vector<16xi1>, vector<16xf32>
        %swap3A = arith.index_cast %add3A_53 : i32 to index
        %swap3A_69 = arith.constant 128 : index
        %swap3A_70 = tpu.vector_load %arg8[%swap3A, %swap3A_69] {strides = array<i32>} : memref<80x144xf32, #tpu.memory_space<vmem>>, vector<1x16xf32>,
        %swap3A_71 = vector.shape_cast %swap3A_70 : vector<1x16xf32> to vector<16xf32>
        %swap3A_72 = vector.shape_cast %select_n3A_68 : vector<16xf32> to vector<1x16xf32>
        tpu.vector_store %arg8[%swap3A, %swap3A_69], %swap3A_72 {strides = array<i32>} : memref<80x144xf32, #tpu.memory_space<vmem>>, vector<1x16xf32>,
        %broadcast_in_dim3A_73 = vector.shape_cast %broadcast_in_dim3A_14 : vector<16xi32> to vector<16x1xi32>
        %gather3A = vector.shape_cast %broadcast_in_dim3A_73 : vector<16x1xi32> to vector<16xi32>
        %gather3A_74 = tpu.dynamic_gather %select_n3A_68[%gather3A] in [0] : vector<16xf32>, vector<16xi32> -> vector<16xf32>
        %get3A_75 = arith.index_cast %add3A_53 : i32 to index
        %get3A_76 = arith.constant 0 : index
        %get3A_77 = tpu.vector_load %arg8[%get3A_75, %get3A_76] {strides = array<i32>} : memref<80x144xf32, #tpu.memory_space<vmem>>, vector<1x16xf32>,
        %get3A_78 = vector.shape_cast %get3A_77 : vector<1x16xf32> to vector<16xf32>
        %mul3A_79 = arith.mulf %get3A_78, %gather3A_74 : vector<16xf32>
        %swap3A_80 = arith.index_cast %add3A_53 : i32 to index
        %swap3A_81 = arith.constant 0 : index
        %swap3A_82 = tpu.vector_load %arg8[%swap3A_80, %swap3A_81] {strides = array<i32>} : memref<80x144xf32, #tpu.memory_space<vmem>>, vector<1x16xf32>,
        %swap3A_83 = vector.shape_cast %swap3A_82 : vector<1x16xf32> to vector<16xf32>
        %swap3A_84 = vector.shape_cast %mul3A_79 : vector<16xf32> to vector<1x16xf32>
        tpu.vector_store %arg8[%swap3A_80, %swap3A_81], %swap3A_84 {strides = array<i32>} : memref<80x144xf32, #tpu.memory_space<vmem>>, vector<1x16xf32>,
        %get3A_85 = arith.index_cast %add3A_53 : i32 to index
        %get3A_86 = arith.constant 16 : index
        %get3A_87 = tpu.vector_load %arg8[%get3A_85, %get3A_86] {strides = array<i32>} : memref<80x144xf32, #tpu.memory_space<vmem>>, vector<1x16xf32>,
        %get3A_88 = vector.shape_cast %get3A_87 : vector<1x16xf32> to vector<16xf32>
        %mul3A_89 = arith.mulf %get3A_88, %gather3A_74 : vector<16xf32>
        %swap3A_90 = arith.index_cast %add3A_53 : i32 to index
        %swap3A_91 = arith.constant 16 : index
        %swap3A_92 = tpu.vector_load %arg8[%swap3A_90, %swap3A_91] {strides = array<i32>} : memref<80x144xf32, #tpu.memory_space<vmem>>, vector<1x16xf32>,
        %swap3A_93 = vector.shape_cast %swap3A_92 : vector<1x16xf32> to vector<16xf32>
        %swap3A_94 = vector.shape_cast %mul3A_89 : vector<16xf32> to vector<1x16xf32>
        tpu.vector_store %arg8[%swap3A_90, %swap3A_91], %swap3A_94 {strides = array<i32>} : memref<80x144xf32, #tpu.memory_space<vmem>>, vector<1x16xf32>,
        %broadcast_in_dim3A_95 = vector.shape_cast %broadcast_in_dim3A_16 : vector<16xi32> to vector<16x1xi32>
        %gather3A_96 = vector.shape_cast %broadcast_in_dim3A_95 : vector<16x1xi32> to vector<16xi32>
        %gather3A_97 = tpu.dynamic_gather %select_n3A_68[%gather3A_96] in [0] : vector<16xf32>, vector<16xi32> -> vector<16xf32>
        %get3A_98 = arith.index_cast %add3A_53 : i32 to index
        %get3A_99 = arith.constant 32 : index
        %get3A_100 = tpu.vector_load %arg8[%get3A_98, %get3A_99] {strides = array<i32>} : memref<80x144xf32, #tpu.memory_space<vmem>>, vector<1x16xf32>,
        %get3A_101 = vector.shape_cast %get3A_100 : vector<1x16xf32> to vector<16xf32>
        %mul3A_102 = arith.mulf %get3A_101, %gather3A_97 : vector<16xf32>
        %swap3A_103 = arith.index_cast %add3A_53 : i32 to index
        %swap3A_104 = arith.constant 32 : index
        %swap3A_105 = tpu.vector_load %arg8[%swap3A_103, %swap3A_104] {strides = array<i32>} : memref<80x144xf32, #tpu.memory_space<vmem>>, vector<1x16xf32>,
        %swap3A_106 = vector.shape_cast %swap3A_105 : vector<1x16xf32> to vector<16xf32>
        %swap3A_107 = vector.shape_cast %mul3A_102 : vector<16xf32> to vector<1x16xf32>
        tpu.vector_store %arg8[%swap3A_103, %swap3A_104], %swap3A_107 {strides = array<i32>} : memref<80x144xf32, #tpu.memory_space<vmem>>, vector<1x16xf32>,
        %get3A_108 = arith.index_cast %add3A_53 : i32 to index
        %get3A_109 = arith.constant 48 : index
        %get3A_110 = tpu.vector_load %arg8[%get3A_108, %get3A_109] {strides = array<i32>} : memref<80x144xf32, #tpu.memory_space<vmem>>, vector<1x16xf32>,
        %get3A_111 = vector.shape_cast %get3A_110 : vector<1x16xf32> to vector<16xf32>
        %mul3A_112 = arith.mulf %get3A_111, %gather3A_97 : vector<16xf32>
        %swap3A_113 = arith.index_cast %add3A_53 : i32 to index
        %swap3A_114 = arith.constant 48 : index
        %swap3A_115 = tpu.vector_load %arg8[%swap3A_113, %swap3A_114] {strides = array<i32>} : memref<80x144xf32, #tpu.memory_space<vmem>>, vector<1x16xf32>,
        %swap3A_116 = vector.shape_cast %swap3A_115 : vector<1x16xf32> to vector<16xf32>
        %swap3A_117 = vector.shape_cast %mul3A_112 : vector<16xf32> to vector<1x16xf32>
        tpu.vector_store %arg8[%swap3A_113, %swap3A_114], %swap3A_117 {strides = array<i32>} : memref<80x144xf32, #tpu.memory_space<vmem>>, vector<1x16xf32>,
        %broadcast_in_dim3A_118 = vector.shape_cast %broadcast_in_dim3A_18 : vector<16xi32> to vector<16x1xi32>
        %gather3A_119 = vector.shape_cast %broadcast_in_dim3A_118 : vector<16x1xi32> to vector<16xi32>
        %gather3A_120 = tpu.dynamic_gather %select_n3A_68[%gather3A_119] in [0] : vector<16xf32>, vector<16xi32> -> vector<16xf32>
        %get3A_121 = arith.index_cast %add3A_53 : i32 to index
        %get3A_122 = arith.constant 64 : index
        %get3A_123 = tpu.vector_load %arg8[%get3A_121, %get3A_122] {strides = array<i32>} : memref<80x144xf32, #tpu.memory_space<vmem>>, vector<1x16xf32>,
        %get3A_124 = vector.shape_cast %get3A_123 : vector<1x16xf32> to vector<16xf32>
        %mul3A_125 = arith.mulf %get3A_124, %gather3A_120 : vector<16xf32>
        %swap3A_126 = arith.index_cast %add3A_53 : i32 to index
        %swap3A_127 = arith.constant 64 : index
        %swap3A_128 = tpu.vector_load %arg8[%swap3A_126, %swap3A_127] {strides = array<i32>} : memref<80x144xf32, #tpu.memory_space<vmem>>, vector<1x16xf32>,
        %swap3A_129 = vector.shape_cast %swap3A_128 : vector<1x16xf32> to vector<16xf32>
        %swap3A_130 = vector.shape_cast %mul3A_125 : vector<16xf32> to vector<1x16xf32>
        tpu.vector_store %arg8[%swap3A_126, %swap3A_127], %swap3A_130 {strides = array<i32>} : memref<80x144xf32, #tpu.memory_space<vmem>>, vector<1x16xf32>,
        %get3A_131 = arith.index_cast %add3A_53 : i32 to index
        %get3A_132 = arith.constant 80 : index
        %get3A_133 = tpu.vector_load %arg8[%get3A_131, %get3A_132] {strides = array<i32>} : memref<80x144xf32, #tpu.memory_space<vmem>>, vector<1x16xf32>,
        %get3A_134 = vector.shape_cast %get3A_133 : vector<1x16xf32> to vector<16xf32>
        %mul3A_135 = arith.mulf %get3A_134, %gather3A_120 : vector<16xf32>
        %swap3A_136 = arith.index_cast %add3A_53 : i32 to index
        %swap3A_137 = arith.constant 80 : index
        %swap3A_138 = tpu.vector_load %arg8[%swap3A_136, %swap3A_137] {strides = array<i32>} : memref<80x144xf32, #tpu.memory_space<vmem>>, vector<1x16xf32>,
        %swap3A_139 = vector.shape_cast %swap3A_138 : vector<1x16xf32> to vector<16xf32>
        %swap3A_140 = vector.shape_cast %mul3A_135 : vector<16xf32> to vector<1x16xf32>
        tpu.vector_store %arg8[%swap3A_136, %swap3A_137], %swap3A_140 {strides = array<i32>} : memref<80x144xf32, #tpu.memory_space<vmem>>, vector<1x16xf32>,
        %broadcast_in_dim3A_141 = vector.shape_cast %broadcast_in_dim3A_20 : vector<16xi32> to vector<16x1xi32>
        %gather3A_142 = vector.shape_cast %broadcast_in_dim3A_141 : vector<16x1xi32> to vector<16xi32>
        %gather3A_143 = tpu.dynamic_gather %select_n3A_68[%gather3A_142] in [0] : vector<16xf32>, vector<16xi32> -> vector<16xf32>
        %get3A_144 = arith.index_cast %add3A_53 : i32 to index
        %get3A_145 = arith.constant 96 : index
        %get3A_146 = tpu.vector_load %arg8[%get3A_144, %get3A_145] {strides = array<i32>} : memref<80x144xf32, #tpu.memory_space<vmem>>, vector<1x16xf32>,
        %get3A_147 = vector.shape_cast %get3A_146 : vector<1x16xf32> to vector<16xf32>
        %mul3A_148 = arith.mulf %get3A_147, %gather3A_143 : vector<16xf32>
        %swap3A_149 = arith.index_cast %add3A_53 : i32 to index
        %swap3A_150 = arith.constant 96 : index
        %swap3A_151 = tpu.vector_load %arg8[%swap3A_149, %swap3A_150] {strides = array<i32>} : memref<80x144xf32, #tpu.memory_space<vmem>>, vector<1x16xf32>,
        %swap3A_152 = vector.shape_cast %swap3A_151 : vector<1x16xf32> to vector<16xf32>
        %swap3A_153 = vector.shape_cast %mul3A_148 : vector<16xf32> to vector<1x16xf32>
        tpu.vector_store %arg8[%swap3A_149, %swap3A_150], %swap3A_153 {strides = array<i32>} : memref<80x144xf32, #tpu.memory_space<vmem>>, vector<1x16xf32>,
        %get3A_154 = arith.index_cast %add3A_53 : i32 to index
        %get3A_155 = arith.constant 112 : index
        %get3A_156 = tpu.vector_load %arg8[%get3A_154, %get3A_155] {strides = array<i32>} : memref<80x144xf32, #tpu.memory_space<vmem>>, vector<1x16xf32>,
        %get3A_157 = vector.shape_cast %get3A_156 : vector<1x16xf32> to vector<16xf32>
        %mul3A_158 = arith.mulf %get3A_157, %gather3A_143 : vector<16xf32>
        %swap3A_159 = arith.index_cast %add3A_53 : i32 to index
        %swap3A_160 = arith.constant 112 : index
        %swap3A_161 = tpu.vector_load %arg8[%swap3A_159, %swap3A_160] {strides = array<i32>} : memref<80x144xf32, #tpu.memory_space<vmem>>, vector<1x16xf32>,
        %swap3A_162 = vector.shape_cast %swap3A_161 : vector<1x16xf32> to vector<16xf32>
        %swap3A_163 = vector.shape_cast %mul3A_158 : vector<16xf32> to vector<1x16xf32>
        tpu.vector_store %arg8[%swap3A_159, %swap3A_160], %swap3A_163 {strides = array<i32>} : memref<80x144xf32, #tpu.memory_space<vmem>>, vector<1x16xf32>,
      }
      %scan3A_48 = arith.constant 80 : i32
      "tpu.region"() ({
        %run_scoped3A = tpu.sem_alloc : memref<!tpu.dma_semaphore, #tpu.memory_space<semaphore_mem>>
        %dma_start3A = arith.constant 0 : i32
        %dma_start3A_49 = arith.constant 0 : i32
        %dma_start3A_50 = tpu.memref_slice %arg7[%dma_start3A, %dma_start3A_49] : memref<10240x144xf32, #tpu.memory_space<vmem_shared>> -> memref<10240x144xf32, #tpu.memory_space<vmem_shared>>
        tpu.enqueue_indirect_dma source(%arg8 : memref<80x144xf32, #tpu.memory_space<vmem>>) target(%dma_start3A_50 : memref<10240x144xf32, #tpu.memory_space<vmem_shared>>) offsets(%arg11 : memref<80xi32, #tpu.memory_space<vmem>>) semaphore(%run_scoped3A : memref<!tpu.dma_semaphore, #tpu.memory_space<semaphore_mem>>) {add = true}
        %dma_wait3A = arith.constant 0 : i32
        %dma_wait3A_51 = arith.constant 0 : i32
        %dma_wait3A_52 = tpu.memref_slice %arg7[%dma_wait3A, %dma_wait3A_51] : memref<10240x144xf32, #tpu.memory_space<vmem_shared>> -> memref<10240x144xf32, #tpu.memory_space<vmem_shared>>
        tpu.wait_indirect_dma semaphore(%run_scoped3A : memref<!tpu.dma_semaphore, #tpu.memory_space<semaphore_mem>>) src(%arg8 : memref<80x144xf32, #tpu.memory_space<vmem>>) dst(%dma_wait3A_52 : memref<10240x144xf32, #tpu.memory_space<vmem_shared>>)
        tpu.yield
      }) : () -> ()
    }
    %scan3A_29 = arith.constant 125 : i32
    %barrier3A_30 = arith.constant 0 : index
    tpu.barrier barrier_id(%barrier3A_30)
    %scan3A_31 = arith.constant 0 : i32
    %scan3A_32 = arith.constant 8 : i32
    %scan3A_33 = arith.addi %scan3A_31, %scan3A_32 : i32
    %scan3A_34 = arith.constant 1 : i32
    scf.for %scan3A_36 = %scan3A_31 to %scan3A_33 step %scan3A_34  : i32 {
      %mul3A_37 = arith.constant 1 : i32
      %mul3A_38 = arith.muli %scan3A_36, %mul3A_37 : i32
      %add3A_39 = arith.constant 0 : i32
      %add3A_40 = arith.addi %add3A_39, %mul3A_38 : i32
      %mul3A_41 = arith.constant 80 : i32
      %mul3A_42 = arith.muli %add3A_40, %mul3A_41 : i32
      %add3A_43 = arith.addi %mul3A_0, %mul3A_42 : i32
      "tpu.region"() ({
        %run_scoped3A = tpu.sem_alloc : memref<!tpu.dma_semaphore, #tpu.memory_space<semaphore_mem>>
        %dma_start3A = arith.constant 0 : i32
        %dma_start3A_47 = tpu.memref_slice %arg7[%add3A_43, %dma_start3A] : memref<10240x144xf32, #tpu.memory_space<vmem_shared>> -> memref<80x144xf32, #tpu.memory_space<vmem_shared>>
        %dma_start3A_48 = arith.constant 0 : i32
        %dma_start3A_49 = tpu.memref_slice %arg7[%add3A_43, %dma_start3A_48] : memref<10240x144xf32, #tpu.memory_space<vmem_shared>> -> memref<80x144xf32, #tpu.memory_space<vmem_shared>>
        tpu.enqueue_dma source(%dma_start3A_49 : memref<80x144xf32, #tpu.memory_space<vmem_shared>>) target(%arg8 : memref<80x144xf32, #tpu.memory_space<vmem>>) target_semaphore(%run_scoped3A : memref<!tpu.dma_semaphore, #tpu.memory_space<semaphore_mem>>)
        %dma_wait3A = arith.constant 0 : i32
        %dma_wait3A_50 = tpu.memref_slice %arg7[%add3A_43, %dma_wait3A] : memref<10240x144xf32, #tpu.memory_space<vmem_shared>> -> memref<80x144xf32, #tpu.memory_space<vmem_shared>>
        %dma_wait3A_51 = arith.constant 0 : i32
        %dma_wait3A_52 = tpu.memref_slice %arg7[%add3A_43, %dma_wait3A_51] : memref<10240x144xf32, #tpu.memory_space<vmem_shared>> -> memref<80x144xf32, #tpu.memory_space<vmem_shared>>
        tpu.wait_dma2 semaphore(%run_scoped3A : memref<!tpu.dma_semaphore, #tpu.memory_space<semaphore_mem>>) src(%dma_wait3A_52 : memref<80x144xf32, #tpu.memory_space<vmem_shared>>) dst(%arg8 : memref<80x144xf32, #tpu.memory_space<vmem>>)
        tpu.yield
      }) : () -> ()
      %mul3A_44 = arith.constant 80 : i32
      %mul3A_45 = arith.muli %add3A_40, %mul3A_44 : i32
      %add3A_46 = arith.addi %mul3A_0, %mul3A_45 : i32
      "tpu.region"() ({
        %run_scoped3A = tpu.sem_alloc : memref<!tpu.dma_semaphore, #tpu.memory_space<semaphore_mem>>
        %dma_start3A = arith.constant 0 : i32
        %dma_start3A_47 = tpu.memref_slice %arg6[%arg0, %add3A_46, %dma_start3A] : memref<2x10240x144xf32, #tpu.memory_space<hbm>> -> memref<1x80x144xf32, #tpu.memory_space<hbm>>
        %dma_start3A_48 = tpu.memref_squeeze %dma_start3A_47 : memref<1x80x144xf32, #tpu.memory_space<hbm>> -> memref<80x144xf32, #tpu.memory_space<hbm>>
        %dma_start3A_49 = arith.constant 0 : i32
        %dma_start3A_50 = tpu.memref_slice %arg6[%arg0, %add3A_46, %dma_start3A_49] : memref<2x10240x144xf32, #tpu.memory_space<hbm>> -> memref<1x80x144xf32, #tpu.memory_space<hbm>>
        %dma_start3A_51 = tpu.memref_squeeze %dma_start3A_50 : memref<1x80x144xf32, #tpu.memory_space<hbm>> -> memref<80x144xf32, #tpu.memory_space<hbm>>
        tpu.enqueue_dma source(%arg8 : memref<80x144xf32, #tpu.memory_space<vmem>>) target(%dma_start3A_51 : memref<80x144xf32, #tpu.memory_space<hbm>>) target_semaphore(%run_scoped3A : memref<!tpu.dma_semaphore, #tpu.memory_space<semaphore_mem>>)
        %dma_wait3A = arith.constant 0 : i32
        %dma_wait3A_52 = tpu.memref_slice %arg6[%arg0, %add3A_46, %dma_wait3A] : memref<2x10240x144xf32, #tpu.memory_space<hbm>> -> memref<1x80x144xf32, #tpu.memory_space<hbm>>
        %dma_wait3A_53 = tpu.memref_squeeze %dma_wait3A_52 : memref<1x80x144xf32, #tpu.memory_space<hbm>> -> memref<80x144xf32, #tpu.memory_space<hbm>>
        %dma_wait3A_54 = arith.constant 0 : i32
        %dma_wait3A_55 = tpu.memref_slice %arg6[%arg0, %add3A_46, %dma_wait3A_54] : memref<2x10240x144xf32, #tpu.memory_space<hbm>> -> memref<1x80x144xf32, #tpu.memory_space<hbm>>
        %dma_wait3A_56 = tpu.memref_squeeze %dma_wait3A_55 : memref<1x80x144xf32, #tpu.memory_space<hbm>> -> memref<80x144xf32, #tpu.memory_space<hbm>>
        tpu.wait_dma2 semaphore(%run_scoped3A : memref<!tpu.dma_semaphore, #tpu.memory_space<semaphore_mem>>) src(%arg8 : memref<80x144xf32, #tpu.memory_space<vmem>>) dst(%dma_wait3A_56 : memref<80x144xf32, #tpu.memory_space<hbm>>)
        tpu.yield
      }) : () -> ()
    }
    %scan3A_35 = arith.constant 8 : i32
    return
  }
}

#map = affine_map<(d0, d1) -> (0, 0)>
#map1 = affine_map<(d0, d1) -> (0)>
#map2 = affine_map<(d0, d1) -> (0, 0, 0)>
module attributes {stable_mosaic.version = 14 : i64} {
  func.func @_edge_body(%arg0: i32, %arg1: i32, %arg2: memref<10000x144xf32, #tpu.memory_space<hbm>>, %arg3: memref<10000x16xf32, #tpu.memory_space<hbm>>, %arg4: memref<320000xi32, #tpu.memory_space<hbm>>, %arg5: memref<320000xi32, #tpu.memory_space<hbm>>, %arg6: memref<2x10240x144xf32, #tpu.memory_space<hbm>>, %arg7: memref<10240x144xf32, #tpu.memory_space<vmem_shared>>, %arg8: memref<80x144xf32, #tpu.memory_space<vmem>>, %arg9: memref<80x16xf32, #tpu.memory_space<vmem>>, %arg10: memref<80xi32, #tpu.memory_space<vmem>>, %arg11: memref<80xi32, #tpu.memory_space<vmem>>) attributes {dimension_semantics = [#tpu.dimension_semantics<core_parallel>, #tpu.dimension_semantics<subcore_parallel>], iteration_bounds = array<i64: 2, 16>, scalar_prefetch = 0 : i64, scratch_operands = 5 : i64, tpu.core_type = #tpu.core_type<sc_vector_subcore>, window_params = [{transform_indices = #map}, {transform_indices = #map}, {transform_indices = #map1}, {transform_indices = #map1}, {transform_indices = #map2}]} {
    %mul3A = arith.constant 640 : i32
    %mul3A_0 = arith.muli %arg1, %mul3A : i32
    %broadcast_in_dim3A = arith.constant 0.000000e+00 : f32
    %broadcast_in_dim3A_1 = vector.broadcast %broadcast_in_dim3A : f32 to vector<16xf32>
    %scan3A = arith.constant 0 : i32
    %scan3A_2 = arith.constant 80 : i32
    %scan3A_3 = arith.addi %scan3A, %scan3A_2 : i32
    %scan3A_4 = arith.constant 1 : i32
    scf.for %scan3A_36 = %scan3A to %scan3A_3 step %scan3A_4  : i32 {
      %mul3A_37 = arith.constant 1 : i32
      %mul3A_38 = arith.muli %scan3A_36, %mul3A_37 : i32
      %add3A_39 = arith.constant 0 : i32
      %add3A_40 = arith.addi %add3A_39, %mul3A_38 : i32
      %swap3A = arith.index_cast %add3A_40 : i32 to index
      %swap3A_41 = arith.constant 0 : index
      %swap3A_42 = tpu.vector_load %arg8[%swap3A, %swap3A_41] {strides = array<i32>} : memref<80x144xf32, #tpu.memory_space<vmem>>, vector<1x16xf32>,
      %swap3A_43 = vector.shape_cast %swap3A_42 : vector<1x16xf32> to vector<16xf32>
      %swap3A_44 = vector.shape_cast %broadcast_in_dim3A_1 : vector<16xf32> to vector<1x16xf32>
      tpu.vector_store %arg8[%swap3A, %swap3A_41], %swap3A_44 {strides = array<i32>} : memref<80x144xf32, #tpu.memory_space<vmem>>, vector<1x16xf32>,
      %swap3A_45 = arith.index_cast %add3A_40 : i32 to index
      %swap3A_46 = arith.constant 16 : index
      %swap3A_47 = tpu.vector_load %arg8[%swap3A_45, %swap3A_46] {strides = array<i32>} : memref<80x144xf32, #tpu.memory_space<vmem>>, vector<1x16xf32>,
      %swap3A_48 = vector.shape_cast %swap3A_47 : vector<1x16xf32> to vector<16xf32>
      %swap3A_49 = vector.shape_cast %broadcast_in_dim3A_1 : vector<16xf32> to vector<1x16xf32>
      tpu.vector_store %arg8[%swap3A_45, %swap3A_46], %swap3A_49 {strides = array<i32>} : memref<80x144xf32, #tpu.memory_space<vmem>>, vector<1x16xf32>,
      %swap3A_50 = arith.index_cast %add3A_40 : i32 to index
      %swap3A_51 = arith.constant 32 : index
      %swap3A_52 = tpu.vector_load %arg8[%swap3A_50, %swap3A_51] {strides = array<i32>} : memref<80x144xf32, #tpu.memory_space<vmem>>, vector<1x16xf32>,
      %swap3A_53 = vector.shape_cast %swap3A_52 : vector<1x16xf32> to vector<16xf32>
      %swap3A_54 = vector.shape_cast %broadcast_in_dim3A_1 : vector<16xf32> to vector<1x16xf32>
      tpu.vector_store %arg8[%swap3A_50, %swap3A_51], %swap3A_54 {strides = array<i32>} : memref<80x144xf32, #tpu.memory_space<vmem>>, vector<1x16xf32>,
      %swap3A_55 = arith.index_cast %add3A_40 : i32 to index
      %swap3A_56 = arith.constant 48 : index
      %swap3A_57 = tpu.vector_load %arg8[%swap3A_55, %swap3A_56] {strides = array<i32>} : memref<80x144xf32, #tpu.memory_space<vmem>>, vector<1x16xf32>,
      %swap3A_58 = vector.shape_cast %swap3A_57 : vector<1x16xf32> to vector<16xf32>
      %swap3A_59 = vector.shape_cast %broadcast_in_dim3A_1 : vector<16xf32> to vector<1x16xf32>
      tpu.vector_store %arg8[%swap3A_55, %swap3A_56], %swap3A_59 {strides = array<i32>} : memref<80x144xf32, #tpu.memory_space<vmem>>, vector<1x16xf32>,
      %swap3A_60 = arith.index_cast %add3A_40 : i32 to index
      %swap3A_61 = arith.constant 64 : index
      %swap3A_62 = tpu.vector_load %arg8[%swap3A_60, %swap3A_61] {strides = array<i32>} : memref<80x144xf32, #tpu.memory_space<vmem>>, vector<1x16xf32>,
      %swap3A_63 = vector.shape_cast %swap3A_62 : vector<1x16xf32> to vector<16xf32>
      %swap3A_64 = vector.shape_cast %broadcast_in_dim3A_1 : vector<16xf32> to vector<1x16xf32>
      tpu.vector_store %arg8[%swap3A_60, %swap3A_61], %swap3A_64 {strides = array<i32>} : memref<80x144xf32, #tpu.memory_space<vmem>>, vector<1x16xf32>,
      %swap3A_65 = arith.index_cast %add3A_40 : i32 to index
      %swap3A_66 = arith.constant 80 : index
      %swap3A_67 = tpu.vector_load %arg8[%swap3A_65, %swap3A_66] {strides = array<i32>} : memref<80x144xf32, #tpu.memory_space<vmem>>, vector<1x16xf32>,
      %swap3A_68 = vector.shape_cast %swap3A_67 : vector<1x16xf32> to vector<16xf32>
      %swap3A_69 = vector.shape_cast %broadcast_in_dim3A_1 : vector<16xf32> to vector<1x16xf32>
      tpu.vector_store %arg8[%swap3A_65, %swap3A_66], %swap3A_69 {strides = array<i32>} : memref<80x144xf32, #tpu.memory_space<vmem>>, vector<1x16xf32>,
      %swap3A_70 = arith.index_cast %add3A_40 : i32 to index
      %swap3A_71 = arith.constant 96 : index
      %swap3A_72 = tpu.vector_load %arg8[%swap3A_70, %swap3A_71] {strides = array<i32>} : memref<80x144xf32, #tpu.memory_space<vmem>>, vector<1x16xf32>,
      %swap3A_73 = vector.shape_cast %swap3A_72 : vector<1x16xf32> to vector<16xf32>
      %swap3A_74 = vector.shape_cast %broadcast_in_dim3A_1 : vector<16xf32> to vector<1x16xf32>
      tpu.vector_store %arg8[%swap3A_70, %swap3A_71], %swap3A_74 {strides = array<i32>} : memref<80x144xf32, #tpu.memory_space<vmem>>, vector<1x16xf32>,
      %swap3A_75 = arith.index_cast %add3A_40 : i32 to index
      %swap3A_76 = arith.constant 112 : index
      %swap3A_77 = tpu.vector_load %arg8[%swap3A_75, %swap3A_76] {strides = array<i32>} : memref<80x144xf32, #tpu.memory_space<vmem>>, vector<1x16xf32>,
      %swap3A_78 = vector.shape_cast %swap3A_77 : vector<1x16xf32> to vector<16xf32>
      %swap3A_79 = vector.shape_cast %broadcast_in_dim3A_1 : vector<16xf32> to vector<1x16xf32>
      tpu.vector_store %arg8[%swap3A_75, %swap3A_76], %swap3A_79 {strides = array<i32>} : memref<80x144xf32, #tpu.memory_space<vmem>>, vector<1x16xf32>,
      %swap3A_80 = arith.index_cast %add3A_40 : i32 to index
      %swap3A_81 = arith.constant 128 : index
      %swap3A_82 = tpu.vector_load %arg8[%swap3A_80, %swap3A_81] {strides = array<i32>} : memref<80x144xf32, #tpu.memory_space<vmem>>, vector<1x16xf32>,
      %swap3A_83 = vector.shape_cast %swap3A_82 : vector<1x16xf32> to vector<16xf32>
      %swap3A_84 = vector.shape_cast %broadcast_in_dim3A_1 : vector<16xf32> to vector<1x16xf32>
      tpu.vector_store %arg8[%swap3A_80, %swap3A_81], %swap3A_84 {strides = array<i32>} : memref<80x144xf32, #tpu.memory_space<vmem>>, vector<1x16xf32>,
    }
    %scan3A_5 = arith.constant 80 : i32
    %scan3A_6 = arith.constant 0 : i32
    %scan3A_7 = arith.constant 8 : i32
    %scan3A_8 = arith.addi %scan3A_6, %scan3A_7 : i32
    %scan3A_9 = arith.constant 1 : i32
    scf.for %scan3A_36 = %scan3A_6 to %scan3A_8 step %scan3A_9  : i32 {
      %mul3A_37 = arith.constant 1 : i32
      %mul3A_38 = arith.muli %scan3A_36, %mul3A_37 : i32
      %add3A_39 = arith.constant 0 : i32
      %add3A_40 = arith.addi %add3A_39, %mul3A_38 : i32
      %mul3A_41 = arith.constant 80 : i32
      %mul3A_42 = arith.muli %add3A_40, %mul3A_41 : i32
      %add3A_43 = arith.addi %mul3A_0, %mul3A_42 : i32
      "tpu.region"() ({
        %run_scoped3A = tpu.sem_alloc : memref<!tpu.dma_semaphore, #tpu.memory_space<semaphore_mem>>
        %dma_start3A = arith.constant 0 : i32
        %dma_start3A_44 = tpu.memref_slice %arg7[%add3A_43, %dma_start3A] : memref<10240x144xf32, #tpu.memory_space<vmem_shared>> -> memref<80x144xf32, #tpu.memory_space<vmem_shared>>
        %dma_start3A_45 = arith.constant 0 : i32
        %dma_start3A_46 = tpu.memref_slice %arg7[%add3A_43, %dma_start3A_45] : memref<10240x144xf32, #tpu.memory_space<vmem_shared>> -> memref<80x144xf32, #tpu.memory_space<vmem_shared>>
        tpu.enqueue_dma source(%arg8 : memref<80x144xf32, #tpu.memory_space<vmem>>) target(%dma_start3A_46 : memref<80x144xf32, #tpu.memory_space<vmem_shared>>) target_semaphore(%run_scoped3A : memref<!tpu.dma_semaphore, #tpu.memory_space<semaphore_mem>>)
        %dma_wait3A = arith.constant 0 : i32
        %dma_wait3A_47 = tpu.memref_slice %arg7[%add3A_43, %dma_wait3A] : memref<10240x144xf32, #tpu.memory_space<vmem_shared>> -> memref<80x144xf32, #tpu.memory_space<vmem_shared>>
        %dma_wait3A_48 = arith.constant 0 : i32
        %dma_wait3A_49 = tpu.memref_slice %arg7[%add3A_43, %dma_wait3A_48] : memref<10240x144xf32, #tpu.memory_space<vmem_shared>> -> memref<80x144xf32, #tpu.memory_space<vmem_shared>>
        tpu.wait_dma2 semaphore(%run_scoped3A : memref<!tpu.dma_semaphore, #tpu.memory_space<semaphore_mem>>) src(%arg8 : memref<80x144xf32, #tpu.memory_space<vmem>>) dst(%dma_wait3A_49 : memref<80x144xf32, #tpu.memory_space<vmem_shared>>)
        tpu.yield
      }) : () -> ()
    }
    %scan3A_10 = arith.constant 8 : i32
    %barrier3A = arith.constant 0 : index
    tpu.barrier barrier_id(%barrier3A)
    %iota3A = tpu.iota {dimensions = array<i32: 0>} : vector<16xi32>
    %lt3A = arith.constant 4 : i32
    %lt3A_11 = vector.broadcast %lt3A : i32 to vector<16xi32>
    %lt3A_12 = arith.cmpi slt, %iota3A, %lt3A_11 : vector<16xi32>
    %broadcast_in_dim3A_13 = arith.constant 0 : i32
    %broadcast_in_dim3A_14 = vector.broadcast %broadcast_in_dim3A_13 : i32 to vector<16xi32>
    %broadcast_in_dim3A_15 = arith.constant 1 : i32
    %broadcast_in_dim3A_16 = vector.broadcast %broadcast_in_dim3A_15 : i32 to vector<16xi32>
    %broadcast_in_dim3A_17 = arith.constant 2 : i32
    %broadcast_in_dim3A_18 = vector.broadcast %broadcast_in_dim3A_17 : i32 to vector<16xi32>
    %broadcast_in_dim3A_19 = arith.constant 3 : i32
    %broadcast_in_dim3A_20 = vector.broadcast %broadcast_in_dim3A_19 : i32 to vector<16xi32>
    %mul3A_21 = arith.constant 160000 : i32
    %mul3A_22 = arith.muli %arg0, %mul3A_21 : i32
    %mul3A_23 = arith.constant 10000 : i32
    %mul3A_24 = arith.muli %arg1, %mul3A_23 : i32
    %add3A = arith.addi %mul3A_22, %mul3A_24 : i32
    %scan3A_25 = arith.constant 0 : i32
    %scan3A_26 = arith.constant 125 : i32
    %scan3A_27 = arith.addi %scan3A_25, %scan3A_26 : i32
    %scan3A_28 = arith.constant 1 : i32
    scf.for %scan3A_36 = %scan3A_25 to %scan3A_27 step %scan3A_28  : i32 {
      %mul3A_37 = arith.constant 1 : i32
      %mul3A_38 = arith.muli %scan3A_36, %mul3A_37 : i32
      %add3A_39 = arith.constant 0 : i32
      %add3A_40 = arith.addi %add3A_39, %mul3A_38 : i32
      %mul3A_41 = arith.constant 80 : i32
      %mul3A_42 = arith.muli %add3A_40, %mul3A_41 : i32
      %add3A_43 = arith.addi %add3A, %mul3A_42 : i32
      "tpu.region"() ({
        %run_scoped3A = tpu.sem_alloc : memref<!tpu.dma_semaphore, #tpu.memory_space<semaphore_mem>>
        %dma_start3A = tpu.memref_slice %arg4[%add3A_43] : memref<320000xi32, #tpu.memory_space<hbm>> -> memref<80xi32, #tpu.memory_space<hbm>>
        %dma_start3A_49 = tpu.memref_slice %arg4[%add3A_43] : memref<320000xi32, #tpu.memory_space<hbm>> -> memref<80xi32, #tpu.memory_space<hbm>>
        tpu.enqueue_dma source(%dma_start3A_49 : memref<80xi32, #tpu.memory_space<hbm>>) target(%arg10 : memref<80xi32, #tpu.memory_space<vmem>>) target_semaphore(%run_scoped3A : memref<!tpu.dma_semaphore, #tpu.memory_space<semaphore_mem>>)
        %dma_wait3A = tpu.memref_slice %arg4[%add3A_43] : memref<320000xi32, #tpu.memory_space<hbm>> -> memref<80xi32, #tpu.memory_space<hbm>>
        %dma_wait3A_50 = tpu.memref_slice %arg4[%add3A_43] : memref<320000xi32, #tpu.memory_space<hbm>> -> memref<80xi32, #tpu.memory_space<hbm>>
        tpu.wait_dma2 semaphore(%run_scoped3A : memref<!tpu.dma_semaphore, #tpu.memory_space<semaphore_mem>>) src(%dma_wait3A_50 : memref<80xi32, #tpu.memory_space<hbm>>) dst(%arg10 : memref<80xi32, #tpu.memory_space<vmem>>)
        tpu.yield
      }) : () -> ()
      "tpu.region"() ({
        %run_scoped3A = tpu.sem_alloc : memref<!tpu.dma_semaphore, #tpu.memory_space<semaphore_mem>>
        %dma_start3A = tpu.memref_slice %arg5[%add3A_43] : memref<320000xi32, #tpu.memory_space<hbm>> -> memref<80xi32, #tpu.memory_space<hbm>>
        %dma_start3A_49 = tpu.memref_slice %arg5[%add3A_43] : memref<320000xi32, #tpu.memory_space<hbm>> -> memref<80xi32, #tpu.memory_space<hbm>>
        tpu.enqueue_dma source(%dma_start3A_49 : memref<80xi32, #tpu.memory_space<hbm>>) target(%arg11 : memref<80xi32, #tpu.memory_space<vmem>>) target_semaphore(%run_scoped3A : memref<!tpu.dma_semaphore, #tpu.memory_space<semaphore_mem>>)
        %dma_wait3A = tpu.memref_slice %arg5[%add3A_43] : memref<320000xi32, #tpu.memory_space<hbm>> -> memref<80xi32, #tpu.memory_space<hbm>>
        %dma_wait3A_50 = tpu.memref_slice %arg5[%add3A_43] : memref<320000xi32, #tpu.memory_space<hbm>> -> memref<80xi32, #tpu.memory_space<hbm>>
        tpu.wait_dma2 semaphore(%run_scoped3A : memref<!tpu.dma_semaphore, #tpu.memory_space<semaphore_mem>>) src(%dma_wait3A_50 : memref<80xi32, #tpu.memory_space<hbm>>) dst(%arg11 : memref<80xi32, #tpu.memory_space<vmem>>)
        tpu.yield
      }) : () -> ()
      "tpu.region"() ({
        %run_scoped3A = tpu.sem_alloc : memref<!tpu.dma_semaphore, #tpu.memory_space<semaphore_mem>>
        %dma_start3A = arith.constant 0 : i32
        %dma_start3A_49 = arith.constant 0 : i32
        %dma_start3A_50 = tpu.memref_slice %arg2[%dma_start3A, %dma_start3A_49] : memref<10000x144xf32, #tpu.memory_space<hbm>> -> memref<10000x144xf32, #tpu.memory_space<hbm>>
        tpu.enqueue_indirect_dma source(%dma_start3A_50 : memref<10000x144xf32, #tpu.memory_space<hbm>>) target(%arg8 : memref<80x144xf32, #tpu.memory_space<vmem>>) offsets(%arg10 : memref<80xi32, #tpu.memory_space<vmem>>) semaphore(%run_scoped3A : memref<!tpu.dma_semaphore, #tpu.memory_space<semaphore_mem>>)
        %dma_wait3A = arith.constant 0 : i32
        %dma_wait3A_51 = arith.constant 0 : i32
        %dma_wait3A_52 = tpu.memref_slice %arg2[%dma_wait3A, %dma_wait3A_51] : memref<10000x144xf32, #tpu.memory_space<hbm>> -> memref<10000x144xf32, #tpu.memory_space<hbm>>
        tpu.wait_indirect_dma semaphore(%run_scoped3A : memref<!tpu.dma_semaphore, #tpu.memory_space<semaphore_mem>>) src(%dma_wait3A_52 : memref<10000x144xf32, #tpu.memory_space<hbm>>) dst(%arg8 : memref<80x144xf32, #tpu.memory_space<vmem>>)
        tpu.yield
      }) : () -> ()
      "tpu.region"() ({
        %run_scoped3A = tpu.sem_alloc : memref<!tpu.dma_semaphore, #tpu.memory_space<semaphore_mem>>
        %dma_start3A = arith.constant 0 : i32
        %dma_start3A_49 = arith.constant 0 : i32
        %dma_start3A_50 = tpu.memref_slice %arg3[%dma_start3A, %dma_start3A_49] : memref<10000x16xf32, #tpu.memory_space<hbm>> -> memref<10000x16xf32, #tpu.memory_space<hbm>>
        tpu.enqueue_indirect_dma source(%dma_start3A_50 : memref<10000x16xf32, #tpu.memory_space<hbm>>) target(%arg9 : memref<80x16xf32, #tpu.memory_space<vmem>>) offsets(%arg11 : memref<80xi32, #tpu.memory_space<vmem>>) semaphore(%run_scoped3A : memref<!tpu.dma_semaphore, #tpu.memory_space<semaphore_mem>>)
        %dma_wait3A = arith.constant 0 : i32
        %dma_wait3A_51 = arith.constant 0 : i32
        %dma_wait3A_52 = tpu.memref_slice %arg3[%dma_wait3A, %dma_wait3A_51] : memref<10000x16xf32, #tpu.memory_space<hbm>> -> memref<10000x16xf32, #tpu.memory_space<hbm>>
        tpu.wait_indirect_dma semaphore(%run_scoped3A : memref<!tpu.dma_semaphore, #tpu.memory_space<semaphore_mem>>) src(%dma_wait3A_52 : memref<10000x16xf32, #tpu.memory_space<hbm>>) dst(%arg9 : memref<80x16xf32, #tpu.memory_space<vmem>>)
        tpu.yield
      }) : () -> ()
      %scan3A_44 = arith.constant 0 : i32
      %scan3A_45 = arith.constant 80 : i32
      %scan3A_46 = arith.addi %scan3A_44, %scan3A_45 : i32
      %scan3A_47 = arith.constant 1 : i32
      scf.for %scan3A_49 = %scan3A_44 to %scan3A_46 step %scan3A_47  : i32 {
        %mul3A_50 = arith.constant 1 : i32
        %mul3A_51 = arith.muli %scan3A_49, %mul3A_50 : i32
        %add3A_52 = arith.constant 0 : i32
        %add3A_53 = arith.addi %add3A_52, %mul3A_51 : i32
        %get3A = arith.index_cast %add3A_53 : i32 to index
        %get3A_54 = arith.constant 128 : index
        %get3A_55 = tpu.vector_load %arg8[%get3A, %get3A_54] {strides = array<i32>} : memref<80x144xf32, #tpu.memory_space<vmem>>, vector<1x16xf32>,
        %get3A_56 = vector.shape_cast %get3A_55 : vector<1x16xf32> to vector<16xf32>
        %get3A_57 = arith.index_cast %add3A_53 : i32 to index
        %get3A_58 = arith.constant 0 : index
        %get3A_59 = tpu.vector_load %arg9[%get3A_57, %get3A_58] {strides = array<i32>} : memref<80x16xf32, #tpu.memory_space<vmem>>, vector<1x16xf32>,
        %get3A_60 = vector.shape_cast %get3A_59 : vector<1x16xf32> to vector<16xf32>
        %add3A_61 = arith.addf %get3A_56, %get3A_60 : vector<16xf32>
        %gt3A = arith.constant 0.000000e+00 : f32
        %gt3A_62 = vector.broadcast %gt3A : f32 to vector<16xf32>
        %gt3A_63 = arith.cmpf ogt, %add3A_61, %gt3A_62 : vector<16xf32>
        %mul3A_64 = arith.constant 2.000000e-01 : f32
        %mul3A_65 = vector.broadcast %mul3A_64 : f32 to vector<16xf32>
        %mul3A_66 = arith.mulf %mul3A_65, %add3A_61 : vector<16xf32>
        %select_n3A = arith.select %gt3A_63, %add3A_61, %mul3A_66 : vector<16xi1>, vector<16xf32>
        %exp3A = math.exp %select_n3A : vector<16xf32>
        %jit3A = arith.constant 0.000000e+00 : f32
        %broadcast_in_dim3A_67 = vector.broadcast %jit3A : f32 to vector<16xf32>
        %select_n3A_68 = arith.select %lt3A_12, %exp3A, %broadcast_in_dim3A_67 : vector<16xi1>, vector<16xf32>
        %swap3A = arith.index_cast %add3A_53 : i32 to index
        %swap3A_69 = arith.constant 128 : index
        %swap3A_70 = tpu.vector_load %arg8[%swap3A, %swap3A_69] {strides = array<i32>} : memref<80x144xf32, #tpu.memory_space<vmem>>, vector<1x16xf32>,
        %swap3A_71 = vector.shape_cast %swap3A_70 : vector<1x16xf32> to vector<16xf32>
        %swap3A_72 = vector.shape_cast %select_n3A_68 : vector<16xf32> to vector<1x16xf32>
        tpu.vector_store %arg8[%swap3A, %swap3A_69], %swap3A_72 {strides = array<i32>} : memref<80x144xf32, #tpu.memory_space<vmem>>, vector<1x16xf32>,
        %broadcast_in_dim3A_73 = vector.shape_cast %broadcast_in_dim3A_14 : vector<16xi32> to vector<16x1xi32>
        %gather3A = vector.shape_cast %broadcast_in_dim3A_73 : vector<16x1xi32> to vector<16xi32>
        %gather3A_74 = tpu.dynamic_gather %select_n3A_68[%gather3A] in [0] : vector<16xf32>, vector<16xi32> -> vector<16xf32>
        %get3A_75 = arith.index_cast %add3A_53 : i32 to index
        %get3A_76 = arith.constant 0 : index
        %get3A_77 = tpu.vector_load %arg8[%get3A_75, %get3A_76] {strides = array<i32>} : memref<80x144xf32, #tpu.memory_space<vmem>>, vector<1x16xf32>,
        %get3A_78 = vector.shape_cast %get3A_77 : vector<1x16xf32> to vector<16xf32>
        %mul3A_79 = arith.mulf %get3A_78, %gather3A_74 : vector<16xf32>
        %swap3A_80 = arith.index_cast %add3A_53 : i32 to index
        %swap3A_81 = arith.constant 0 : index
        %swap3A_82 = tpu.vector_load %arg8[%swap3A_80, %swap3A_81] {strides = array<i32>} : memref<80x144xf32, #tpu.memory_space<vmem>>, vector<1x16xf32>,
        %swap3A_83 = vector.shape_cast %swap3A_82 : vector<1x16xf32> to vector<16xf32>
        %swap3A_84 = vector.shape_cast %mul3A_79 : vector<16xf32> to vector<1x16xf32>
        tpu.vector_store %arg8[%swap3A_80, %swap3A_81], %swap3A_84 {strides = array<i32>} : memref<80x144xf32, #tpu.memory_space<vmem>>, vector<1x16xf32>,
        %get3A_85 = arith.index_cast %add3A_53 : i32 to index
        %get3A_86 = arith.constant 16 : index
        %get3A_87 = tpu.vector_load %arg8[%get3A_85, %get3A_86] {strides = array<i32>} : memref<80x144xf32, #tpu.memory_space<vmem>>, vector<1x16xf32>,
        %get3A_88 = vector.shape_cast %get3A_87 : vector<1x16xf32> to vector<16xf32>
        %mul3A_89 = arith.mulf %get3A_88, %gather3A_74 : vector<16xf32>
        %swap3A_90 = arith.index_cast %add3A_53 : i32 to index
        %swap3A_91 = arith.constant 16 : index
        %swap3A_92 = tpu.vector_load %arg8[%swap3A_90, %swap3A_91] {strides = array<i32>} : memref<80x144xf32, #tpu.memory_space<vmem>>, vector<1x16xf32>,
        %swap3A_93 = vector.shape_cast %swap3A_92 : vector<1x16xf32> to vector<16xf32>
        %swap3A_94 = vector.shape_cast %mul3A_89 : vector<16xf32> to vector<1x16xf32>
        tpu.vector_store %arg8[%swap3A_90, %swap3A_91], %swap3A_94 {strides = array<i32>} : memref<80x144xf32, #tpu.memory_space<vmem>>, vector<1x16xf32>,
        %broadcast_in_dim3A_95 = vector.shape_cast %broadcast_in_dim3A_16 : vector<16xi32> to vector<16x1xi32>
        %gather3A_96 = vector.shape_cast %broadcast_in_dim3A_95 : vector<16x1xi32> to vector<16xi32>
        %gather3A_97 = tpu.dynamic_gather %select_n3A_68[%gather3A_96] in [0] : vector<16xf32>, vector<16xi32> -> vector<16xf32>
        %get3A_98 = arith.index_cast %add3A_53 : i32 to index
        %get3A_99 = arith.constant 32 : index
        %get3A_100 = tpu.vector_load %arg8[%get3A_98, %get3A_99] {strides = array<i32>} : memref<80x144xf32, #tpu.memory_space<vmem>>, vector<1x16xf32>,
        %get3A_101 = vector.shape_cast %get3A_100 : vector<1x16xf32> to vector<16xf32>
        %mul3A_102 = arith.mulf %get3A_101, %gather3A_97 : vector<16xf32>
        %swap3A_103 = arith.index_cast %add3A_53 : i32 to index
        %swap3A_104 = arith.constant 32 : index
        %swap3A_105 = tpu.vector_load %arg8[%swap3A_103, %swap3A_104] {strides = array<i32>} : memref<80x144xf32, #tpu.memory_space<vmem>>, vector<1x16xf32>,
        %swap3A_106 = vector.shape_cast %swap3A_105 : vector<1x16xf32> to vector<16xf32>
        %swap3A_107 = vector.shape_cast %mul3A_102 : vector<16xf32> to vector<1x16xf32>
        tpu.vector_store %arg8[%swap3A_103, %swap3A_104], %swap3A_107 {strides = array<i32>} : memref<80x144xf32, #tpu.memory_space<vmem>>, vector<1x16xf32>,
        %get3A_108 = arith.index_cast %add3A_53 : i32 to index
        %get3A_109 = arith.constant 48 : index
        %get3A_110 = tpu.vector_load %arg8[%get3A_108, %get3A_109] {strides = array<i32>} : memref<80x144xf32, #tpu.memory_space<vmem>>, vector<1x16xf32>,
        %get3A_111 = vector.shape_cast %get3A_110 : vector<1x16xf32> to vector<16xf32>
        %mul3A_112 = arith.mulf %get3A_111, %gather3A_97 : vector<16xf32>
        %swap3A_113 = arith.index_cast %add3A_53 : i32 to index
        %swap3A_114 = arith.constant 48 : index
        %swap3A_115 = tpu.vector_load %arg8[%swap3A_113, %swap3A_114] {strides = array<i32>} : memref<80x144xf32, #tpu.memory_space<vmem>>, vector<1x16xf32>,
        %swap3A_116 = vector.shape_cast %swap3A_115 : vector<1x16xf32> to vector<16xf32>
        %swap3A_117 = vector.shape_cast %mul3A_112 : vector<16xf32> to vector<1x16xf32>
        tpu.vector_store %arg8[%swap3A_113, %swap3A_114], %swap3A_117 {strides = array<i32>} : memref<80x144xf32, #tpu.memory_space<vmem>>, vector<1x16xf32>,
        %broadcast_in_dim3A_118 = vector.shape_cast %broadcast_in_dim3A_18 : vector<16xi32> to vector<16x1xi32>
        %gather3A_119 = vector.shape_cast %broadcast_in_dim3A_118 : vector<16x1xi32> to vector<16xi32>
        %gather3A_120 = tpu.dynamic_gather %select_n3A_68[%gather3A_119] in [0] : vector<16xf32>, vector<16xi32> -> vector<16xf32>
        %get3A_121 = arith.index_cast %add3A_53 : i32 to index
        %get3A_122 = arith.constant 64 : index
        %get3A_123 = tpu.vector_load %arg8[%get3A_121, %get3A_122] {strides = array<i32>} : memref<80x144xf32, #tpu.memory_space<vmem>>, vector<1x16xf32>,
        %get3A_124 = vector.shape_cast %get3A_123 : vector<1x16xf32> to vector<16xf32>
        %mul3A_125 = arith.mulf %get3A_124, %gather3A_120 : vector<16xf32>
        %swap3A_126 = arith.index_cast %add3A_53 : i32 to index
        %swap3A_127 = arith.constant 64 : index
        %swap3A_128 = tpu.vector_load %arg8[%swap3A_126, %swap3A_127] {strides = array<i32>} : memref<80x144xf32, #tpu.memory_space<vmem>>, vector<1x16xf32>,
        %swap3A_129 = vector.shape_cast %swap3A_128 : vector<1x16xf32> to vector<16xf32>
        %swap3A_130 = vector.shape_cast %mul3A_125 : vector<16xf32> to vector<1x16xf32>
        tpu.vector_store %arg8[%swap3A_126, %swap3A_127], %swap3A_130 {strides = array<i32>} : memref<80x144xf32, #tpu.memory_space<vmem>>, vector<1x16xf32>,
        %get3A_131 = arith.index_cast %add3A_53 : i32 to index
        %get3A_132 = arith.constant 80 : index
        %get3A_133 = tpu.vector_load %arg8[%get3A_131, %get3A_132] {strides = array<i32>} : memref<80x144xf32, #tpu.memory_space<vmem>>, vector<1x16xf32>,
        %get3A_134 = vector.shape_cast %get3A_133 : vector<1x16xf32> to vector<16xf32>
        %mul3A_135 = arith.mulf %get3A_134, %gather3A_120 : vector<16xf32>
        %swap3A_136 = arith.index_cast %add3A_53 : i32 to index
        %swap3A_137 = arith.constant 80 : index
        %swap3A_138 = tpu.vector_load %arg8[%swap3A_136, %swap3A_137] {strides = array<i32>} : memref<80x144xf32, #tpu.memory_space<vmem>>, vector<1x16xf32>,
        %swap3A_139 = vector.shape_cast %swap3A_138 : vector<1x16xf32> to vector<16xf32>
        %swap3A_140 = vector.shape_cast %mul3A_135 : vector<16xf32> to vector<1x16xf32>
        tpu.vector_store %arg8[%swap3A_136, %swap3A_137], %swap3A_140 {strides = array<i32>} : memref<80x144xf32, #tpu.memory_space<vmem>>, vector<1x16xf32>,
        %broadcast_in_dim3A_141 = vector.shape_cast %broadcast_in_dim3A_20 : vector<16xi32> to vector<16x1xi32>
        %gather3A_142 = vector.shape_cast %broadcast_in_dim3A_141 : vector<16x1xi32> to vector<16xi32>
        %gather3A_143 = tpu.dynamic_gather %select_n3A_68[%gather3A_142] in [0] : vector<16xf32>, vector<16xi32> -> vector<16xf32>
        %get3A_144 = arith.index_cast %add3A_53 : i32 to index
        %get3A_145 = arith.constant 96 : index
        %get3A_146 = tpu.vector_load %arg8[%get3A_144, %get3A_145] {strides = array<i32>} : memref<80x144xf32, #tpu.memory_space<vmem>>, vector<1x16xf32>,
        %get3A_147 = vector.shape_cast %get3A_146 : vector<1x16xf32> to vector<16xf32>
        %mul3A_148 = arith.mulf %get3A_147, %gather3A_143 : vector<16xf32>
        %swap3A_149 = arith.index_cast %add3A_53 : i32 to index
        %swap3A_150 = arith.constant 96 : index
        %swap3A_151 = tpu.vector_load %arg8[%swap3A_149, %swap3A_150] {strides = array<i32>} : memref<80x144xf32, #tpu.memory_space<vmem>>, vector<1x16xf32>,
        %swap3A_152 = vector.shape_cast %swap3A_151 : vector<1x16xf32> to vector<16xf32>
        %swap3A_153 = vector.shape_cast %mul3A_148 : vector<16xf32> to vector<1x16xf32>
        tpu.vector_store %arg8[%swap3A_149, %swap3A_150], %swap3A_153 {strides = array<i32>} : memref<80x144xf32, #tpu.memory_space<vmem>>, vector<1x16xf32>,
        %get3A_154 = arith.index_cast %add3A_53 : i32 to index
        %get3A_155 = arith.constant 112 : index
        %get3A_156 = tpu.vector_load %arg8[%get3A_154, %get3A_155] {strides = array<i32>} : memref<80x144xf32, #tpu.memory_space<vmem>>, vector<1x16xf32>,
        %get3A_157 = vector.shape_cast %get3A_156 : vector<1x16xf32> to vector<16xf32>
        %mul3A_158 = arith.mulf %get3A_157, %gather3A_143 : vector<16xf32>
        %swap3A_159 = arith.index_cast %add3A_53 : i32 to index
        %swap3A_160 = arith.constant 112 : index
        %swap3A_161 = tpu.vector_load %arg8[%swap3A_159, %swap3A_160] {strides = array<i32>} : memref<80x144xf32, #tpu.memory_space<vmem>>, vector<1x16xf32>,
        %swap3A_162 = vector.shape_cast %swap3A_161 : vector<1x16xf32> to vector<16xf32>
        %swap3A_163 = vector.shape_cast %mul3A_158 : vector<16xf32> to vector<1x16xf32>
        tpu.vector_store %arg8[%swap3A_159, %swap3A_160], %swap3A_163 {strides = array<i32>} : memref<80x144xf32, #tpu.memory_space<vmem>>, vector<1x16xf32>,
      }
      %scan3A_48 = arith.constant 80 : i32
      "tpu.region"() ({
        %run_scoped3A = tpu.sem_alloc : memref<!tpu.dma_semaphore, #tpu.memory_space<semaphore_mem>>
        %dma_start3A = arith.constant 0 : i32
        %dma_start3A_49 = arith.constant 0 : i32
        %dma_start3A_50 = tpu.memref_slice %arg7[%dma_start3A, %dma_start3A_49] : memref<10240x144xf32, #tpu.memory_space<vmem_shared>> -> memref<10240x144xf32, #tpu.memory_space<vmem_shared>>
        tpu.enqueue_indirect_dma source(%arg8 : memref<80x144xf32, #tpu.memory_space<vmem>>) target(%dma_start3A_50 : memref<10240x144xf32, #tpu.memory_space<vmem_shared>>) offsets(%arg11 : memref<80xi32, #tpu.memory_space<vmem>>) semaphore(%run_scoped3A : memref<!tpu.dma_semaphore, #tpu.memory_space<semaphore_mem>>) {add = true}
        %dma_wait3A = arith.constant 0 : i32
        %dma_wait3A_51 = arith.constant 0 : i32
        %dma_wait3A_52 = tpu.memref_slice %arg7[%dma_wait3A, %dma_wait3A_51] : memref<10240x144xf32, #tpu.memory_space<vmem_shared>> -> memref<10240x144xf32, #tpu.memory_space<vmem_shared>>
        tpu.wait_indirect_dma semaphore(%run_scoped3A : memref<!tpu.dma_semaphore, #tpu.memory_space<semaphore_mem>>) src(%arg8 : memref<80x144xf32, #tpu.memory_space<vmem>>) dst(%dma_wait3A_52 : memref<10240x144xf32, #tpu.memory_space<vmem_shared>>)
        tpu.yield
      }) : () -> ()
    }
    %scan3A_29 = arith.constant 125 : i32
    %barrier3A_30 = arith.constant 0 : index
    tpu.barrier barrier_id(%barrier3A_30)
    %scan3A_31 = arith.constant 0 : i32
    %scan3A_32 = arith.constant 8 : i32
    %scan3A_33 = arith.addi %scan3A_31, %scan3A_32 : i32
    %scan3A_34 = arith.constant 1 : i32
    scf.for %scan3A_36 = %scan3A_31 to %scan3A_33 step %scan3A_34  : i32 {
      %mul3A_37 = arith.constant 1 : i32
      %mul3A_38 = arith.muli %scan3A_36, %mul3A_37 : i32
      %add3A_39 = arith.constant 0 : i32
      %add3A_40 = arith.addi %add3A_39, %mul3A_38 : i32
      %mul3A_41 = arith.constant 80 : i32
      %mul3A_42 = arith.muli %add3A_40, %mul3A_41 : i32
      %add3A_43 = arith.addi %mul3A_0, %mul3A_42 : i32
      "tpu.region"() ({
        %run_scoped3A = tpu.sem_alloc : memref<!tpu.dma_semaphore, #tpu.memory_space<semaphore_mem>>
        %dma_start3A = arith.constant 0 : i32
        %dma_start3A_47 = tpu.memref_slice %arg7[%add3A_43, %dma_start3A] : memref<10240x144xf32, #tpu.memory_space<vmem_shared>> -> memref<80x144xf32, #tpu.memory_space<vmem_shared>>
        %dma_start3A_48 = arith.constant 0 : i32
        %dma_start3A_49 = tpu.memref_slice %arg7[%add3A_43, %dma_start3A_48] : memref<10240x144xf32, #tpu.memory_space<vmem_shared>> -> memref<80x144xf32, #tpu.memory_space<vmem_shared>>
        tpu.enqueue_dma source(%dma_start3A_49 : memref<80x144xf32, #tpu.memory_space<vmem_shared>>) target(%arg8 : memref<80x144xf32, #tpu.memory_space<vmem>>) target_semaphore(%run_scoped3A : memref<!tpu.dma_semaphore, #tpu.memory_space<semaphore_mem>>)
        %dma_wait3A = arith.constant 0 : i32
        %dma_wait3A_50 = tpu.memref_slice %arg7[%add3A_43, %dma_wait3A] : memref<10240x144xf32, #tpu.memory_space<vmem_shared>> -> memref<80x144xf32, #tpu.memory_space<vmem_shared>>
        %dma_wait3A_51 = arith.constant 0 : i32
        %dma_wait3A_52 = tpu.memref_slice %arg7[%add3A_43, %dma_wait3A_51] : memref<10240x144xf32, #tpu.memory_space<vmem_shared>> -> memref<80x144xf32, #tpu.memory_space<vmem_shared>>
        tpu.wait_dma2 semaphore(%run_scoped3A : memref<!tpu.dma_semaphore, #tpu.memory_space<semaphore_mem>>) src(%dma_wait3A_52 : memref<80x144xf32, #tpu.memory_space<vmem_shared>>) dst(%arg8 : memref<80x144xf32, #tpu.memory_space<vmem>>)
        tpu.yield
      }) : () -> ()
      %mul3A_44 = arith.constant 80 : i32
      %mul3A_45 = arith.muli %add3A_40, %mul3A_44 : i32
      %add3A_46 = arith.addi %mul3A_0, %mul3A_45 : i32
      "tpu.region"() ({
        %run_scoped3A = tpu.sem_alloc : memref<!tpu.dma_semaphore, #tpu.memory_space<semaphore_mem>>
        %dma_start3A = arith.constant 0 : i32
        %dma_start3A_47 = tpu.memref_slice %arg6[%arg0, %add3A_46, %dma_start3A] : memref<2x10240x144xf32, #tpu.memory_space<hbm>> -> memref<1x80x144xf32, #tpu.memory_space<hbm>>
        %dma_start3A_48 = tpu.memref_squeeze %dma_start3A_47 : memref<1x80x144xf32, #tpu.memory_space<hbm>> -> memref<80x144xf32, #tpu.memory_space<hbm>>
        %dma_start3A_49 = arith.constant 0 : i32
        %dma_start3A_50 = tpu.memref_slice %arg6[%arg0, %add3A_46, %dma_start3A_49] : memref<2x10240x144xf32, #tpu.memory_space<hbm>> -> memref<1x80x144xf32, #tpu.memory_space<hbm>>
        %dma_start3A_51 = tpu.memref_squeeze %dma_start3A_50 : memref<1x80x144xf32, #tpu.memory_space<hbm>> -> memref<80x144xf32, #tpu.memory_space<hbm>>
        tpu.enqueue_dma source(%arg8 : memref<80x144xf32, #tpu.memory_space<vmem>>) target(%dma_start3A_51 : memref<80x144xf32, #tpu.memory_space<hbm>>) target_semaphore(%run_scoped3A : memref<!tpu.dma_semaphore, #tpu.memory_space<semaphore_mem>>)
        %dma_wait3A = arith.constant 0 : i32
        %dma_wait3A_52 = tpu.memref_slice %arg6[%arg0, %add3A_46, %dma_wait3A] : memref<2x10240x144xf32, #tpu.memory_space<hbm>> -> memref<1x80x144xf32, #tpu.memory_space<hbm>>
        %dma_wait3A_53 = tpu.memref_squeeze %dma_wait3A_52 : memref<1x80x144xf32, #tpu.memory_space<hbm>> -> memref<80x144xf32, #tpu.memory_space<hbm>>
        %dma_wait3A_54 = arith.constant 0 : i32
        %dma_wait3A_55 = tpu.memref_slice %arg6[%arg0, %add3A_46, %dma_wait3A_54] : memref<2x10240x144xf32, #tpu.memory_space<hbm>> -> memref<1x80x144xf32, #tpu.memory_space<hbm>>
        %dma_wait3A_56 = tpu.memref_squeeze %dma_wait3A_55 : memref<1x80x144xf32, #tpu.memory_space<hbm>> -> memref<80x144xf32, #tpu.memory_space<hbm>>
        tpu.wait_dma2 semaphore(%run_scoped3A : memref<!tpu.dma_semaphore, #tpu.memory_space<semaphore_mem>>) src(%arg8 : memref<80x144xf32, #tpu.memory_space<vmem>>) dst(%dma_wait3A_56 : memref<80x144xf32, #tpu.memory_space<hbm>>)
        tpu.yield
      }) : () -> ()
    }
    %scan3A_35 = arith.constant 8 : i32
    return
  }
}

module attributes {stable_mosaic.version = 14 : i64} {
  func.func @_pre_body(%arg0: memref<10000x128xf32, #tpu.memory_space<vmem>>, %arg1: memref<128x128xf32, #tpu.memory_space<vmem>>, %arg2: memref<1x128xf32, #tpu.memory_space<vmem>>, %arg3: memref<128x128xf32, #tpu.memory_space<vmem>>, %arg4: memref<128x144xf32, #tpu.memory_space<vmem>>, %arg5: memref<128x16xf32, #tpu.memory_space<vmem>>, %arg6: memref<10000x128xf32, #tpu.memory_space<vmem>>, %arg7: memref<10000x144xf32, #tpu.memory_space<vmem>>, %arg8: memref<10000x16xf32, #tpu.memory_space<vmem>>) attributes {dimension_semantics = [], scalar_prefetch = 0 : i64, scratch_operands = 0 : i64, tpu.core_type = #tpu.core_type<tc>} {
    %get3A = arith.constant 0 : index
    %get3A_0 = arith.constant 0 : index
    %get3A_1 = vector.load %arg0[%get3A, %get3A_0] : memref<10000x128xf32, #tpu.memory_space<vmem>>, vector<10000x128xf32>
    %get3A_2 = arith.constant 0 : index
    %get3A_3 = arith.constant 0 : index
    %get3A_4 = vector.load %arg1[%get3A_2, %get3A_3] : memref<128x128xf32, #tpu.memory_space<vmem>>, vector<128x128xf32>
    %dot_general3A = arith.constant dense<0.000000e+00> : vector<10000x128xf32>
    %dot_general3A_5 = tpu.matmul %get3A_1, %get3A_4, %dot_general3A {dimension_numbers = #tpu.dot_dimension_numbers<[1], [0], [0], [1], [0, 0, 1, 1], [], []>, transpose_lhs_hint = false} : vector<10000x128xf32>, vector<128x128xf32>, vector<10000x128xf32> -> vector<10000x128xf32>
    %get3A_6 = arith.constant 0 : index
    %get3A_7 = arith.constant 0 : index
    %get3A_8 = vector.load %arg2[%get3A_6, %get3A_7] : memref<1x128xf32, #tpu.memory_space<vmem>>, vector<1x128xf32>
    %add3A = vector.broadcast %get3A_8 : vector<1x128xf32> to vector<10000x128xf32>
    %add3A_9 = arith.addf %dot_general3A_5, %add3A : vector<10000x128xf32>
    %swap3A = arith.constant 0 : index
    %swap3A_10 = arith.constant 0 : index
    %swap3A_11 = vector.load %arg6[%swap3A, %swap3A_10] : memref<10000x128xf32, #tpu.memory_space<vmem>>, vector<10000x128xf32>
    tpu.vector_store %arg6[%swap3A, %swap3A_10], %add3A_9 {strides = array<i32>} : memref<10000x128xf32, #tpu.memory_space<vmem>>, vector<10000x128xf32>,
    %get3A_12 = arith.constant 0 : index
    %get3A_13 = arith.constant 0 : index
    %get3A_14 = vector.load %arg3[%get3A_12, %get3A_13] : memref<128x128xf32, #tpu.memory_space<vmem>>, vector<128x128xf32>
    %dot_general3A_15 = arith.constant dense<0.000000e+00> : vector<10000x128xf32>
    %dot_general3A_16 = tpu.matmul %add3A_9, %get3A_14, %dot_general3A_15 {dimension_numbers = #tpu.dot_dimension_numbers<[1], [0], [0], [1], [0, 0, 1, 1], [], []>, transpose_lhs_hint = false} : vector<10000x128xf32>, vector<128x128xf32>, vector<10000x128xf32> -> vector<10000x128xf32>
    %get3A_17 = arith.constant 0 : index
    %get3A_18 = arith.constant 0 : index
    %get3A_19 = vector.load %arg4[%get3A_17, %get3A_18] : memref<128x144xf32, #tpu.memory_space<vmem>>, vector<128x144xf32>
    %dot_general3A_20 = arith.constant dense<0.000000e+00> : vector<10000x144xf32>
    %dot_general3A_21 = tpu.matmul %dot_general3A_16, %get3A_19, %dot_general3A_20 {dimension_numbers = #tpu.dot_dimension_numbers<[1], [0], [0], [1], [0, 0, 1, 1], [], []>, transpose_lhs_hint = false} : vector<10000x128xf32>, vector<128x144xf32>, vector<10000x144xf32> -> vector<10000x144xf32>
    %swap3A_22 = arith.constant 0 : index
    %swap3A_23 = arith.constant 0 : index
    %swap3A_24 = vector.load %arg7[%swap3A_22, %swap3A_23] : memref<10000x144xf32, #tpu.memory_space<vmem>>, vector<10000x144xf32>
    tpu.vector_store %arg7[%swap3A_22, %swap3A_23], %dot_general3A_21 {strides = array<i32>} : memref<10000x144xf32, #tpu.memory_space<vmem>>, vector<10000x144xf32>,
    %get3A_25 = arith.constant 0 : index
    %get3A_26 = arith.constant 0 : index
    %get3A_27 = vector.load %arg5[%get3A_25, %get3A_26] : memref<128x16xf32, #tpu.memory_space<vmem>>, vector<128x16xf32>
    %dot_general3A_28 = arith.constant dense<0.000000e+00> : vector<10000x16xf32>
    %dot_general3A_29 = tpu.matmul %dot_general3A_16, %get3A_27, %dot_general3A_28 {dimension_numbers = #tpu.dot_dimension_numbers<[1], [0], [0], [1], [0, 0, 1, 1], [], []>, transpose_lhs_hint = false} : vector<10000x128xf32>, vector<128x16xf32>, vector<10000x16xf32> -> vector<10000x16xf32>
    %swap3A_30 = arith.constant 0 : index
    %swap3A_31 = arith.constant 0 : index
    %swap3A_32 = vector.load %arg8[%swap3A_30, %swap3A_31] : memref<10000x16xf32, #tpu.memory_space<vmem>>, vector<10000x16xf32>
    tpu.vector_store %arg8[%swap3A_30, %swap3A_31], %dot_general3A_29 {strides = array<i32>} : memref<10000x16xf32, #tpu.memory_space<vmem>>, vector<10000x16xf32>,
    return
  }
}

module attributes {stable_mosaic.version = 14 : i64} {
  func.func @_mid_body(%arg0: memref<2x10240x144xf32, #tpu.memory_space<vmem>>, %arg1: memref<1x128xf32, #tpu.memory_space<vmem>>, %arg2: memref<1x128xf32, #tpu.memory_space<vmem>>, %arg3: memref<1x128xf32, #tpu.memory_space<vmem>>, %arg4: memref<128x256xf32, #tpu.memory_space<vmem>>, %arg5: memref<1x256xf32, #tpu.memory_space<vmem>>, %arg6: memref<256x128xf32, #tpu.memory_space<vmem>>, %arg7: memref<1x128xf32, #tpu.memory_space<vmem>>, %arg8: memref<1x128xf32, #tpu.memory_space<vmem>>, %arg9: memref<1x128xf32, #tpu.memory_space<vmem>>, %arg10: memref<4x128xf32, #tpu.memory_space<vmem>>, %arg11: memref<128x128xf32, #tpu.memory_space<vmem>>, %arg12: memref<128x144xf32, #tpu.memory_space<vmem>>, %arg13: memref<128x16xf32, #tpu.memory_space<vmem>>, %arg14: memref<10000x128xf32, #tpu.memory_space<vmem>>, %arg15: memref<10000x144xf32, #tpu.memory_space<vmem>>, %arg16: memref<10000x16xf32, #tpu.memory_space<vmem>>) attributes {dimension_semantics = [], scalar_prefetch = 0 : i64, scratch_operands = 0 : i64, tpu.core_type = #tpu.core_type<tc>} {
    %get3A = arith.constant 0 : index
    %get3A_0 = arith.constant 0 : index
    %get3A_1 = arith.constant 0 : index
    %get3A_2 = vector.load %arg0[%get3A, %get3A_0, %get3A_1] : memref<2x10240x144xf32, #tpu.memory_space<vmem>>, vector<1x10240x144xf32>
    %get3A_3 = vector.shape_cast %get3A_2 : vector<1x10240x144xf32> to vector<10240x144xf32>
    %get3A_4 = arith.constant 1 : index
    %get3A_5 = arith.constant 0 : index
    %get3A_6 = arith.constant 0 : index
    %get3A_7 = vector.load %arg0[%get3A_4, %get3A_5, %get3A_6] : memref<2x10240x144xf32, #tpu.memory_space<vmem>>, vector<1x10240x144xf32>
    %get3A_8 = vector.shape_cast %get3A_7 : vector<1x10240x144xf32> to vector<10240x144xf32>
    %add3A = arith.addf %get3A_3, %get3A_8 : vector<10240x144xf32>
    %slice3A = vector.extract_strided_slice %add3A {offsets = [0, 0], sizes = [10000, 144], strides = [1, 1]} : vector<10240x144xf32> to vector<10000x144xf32>
    %slice3A_9 = vector.extract_strided_slice %slice3A {offsets = [0, 128], sizes = [10000, 4], strides = [1, 1]} : vector<10000x144xf32> to vector<10000x4xf32>
    %add3A_10 = arith.constant 9.99999971E-10 : f32
    %add3A_11 = vector.broadcast %add3A_10 : f32 to vector<10000x4xf32>
    %add3A_12 = arith.addf %slice3A_9, %add3A_11 : vector<10000x4xf32>
    %div3A = arith.constant 1.000000e+00 : f32
    %div3A_13 = vector.broadcast %div3A : f32 to vector<10000x4xf32>
    %div3A_14 = arith.divf %div3A_13, %add3A_12 : vector<10000x4xf32>
    %slice3A_15 = vector.extract_strided_slice %slice3A {offsets = [0, 0], sizes = [10000, 128], strides = [1, 1]} : vector<10000x144xf32> to vector<10000x128xf32>
    %get3A_16 = arith.constant 0 : index
    %get3A_17 = arith.constant 0 : index
    %get3A_18 = vector.load %arg10[%get3A_16, %get3A_17] : memref<4x128xf32, #tpu.memory_space<vmem>>, vector<4x128xf32>
    %dot_general3A = arith.constant dense<0.000000e+00> : vector<10000x128xf32>
    %dot_general3A_19 = tpu.matmul %div3A_14, %get3A_18, %dot_general3A {dimension_numbers = #tpu.dot_dimension_numbers<[1], [0], [0], [1], [0, 0, 1, 1], [], []>, transpose_lhs_hint = false} : vector<10000x4xf32>, vector<4x128xf32>, vector<10000x128xf32> -> vector<10000x128xf32>
    %mul3A = arith.mulf %slice3A_15, %dot_general3A_19 : vector<10000x128xf32>
    %get3A_20 = arith.constant 0 : index
    %get3A_21 = arith.constant 0 : index
    %get3A_22 = vector.load %arg1[%get3A_20, %get3A_21] : memref<1x128xf32, #tpu.memory_space<vmem>>, vector<1x128xf32>
    %add3A_23 = vector.broadcast %get3A_22 : vector<1x128xf32> to vector<10000x128xf32>
    %add3A_24 = arith.addf %mul3A, %add3A_23 : vector<10000x128xf32>
    %get3A_25 = arith.constant 0 : index
    %get3A_26 = arith.constant 0 : index
    %get3A_27 = vector.load %arg2[%get3A_25, %get3A_26] : memref<1x128xf32, #tpu.memory_space<vmem>>, vector<1x128xf32>
    %get3A_28 = arith.constant 0 : index
    %get3A_29 = arith.constant 0 : index
    %get3A_30 = vector.load %arg3[%get3A_28, %get3A_29] : memref<1x128xf32, #tpu.memory_space<vmem>>, vector<1x128xf32>
    %reduce_sum3A = arith.constant dense<0.000000e+00> : vector<128xf32>
    %reduce_sum3A_31 = vector.multi_reduction <add>, %add3A_24, %reduce_sum3A [0] : vector<10000x128xf32> to vector<128xf32>
    %div3A_32 = arith.constant 1.000000e+04 : f32
    %div3A_33 = vector.broadcast %div3A_32 : f32 to vector<128xf32>
    %div3A_34 = arith.divf %reduce_sum3A_31, %div3A_33 : vector<128xf32>
    %jit3A = arith.constant 0 : i32
    %reduce_sum3A_35 = arith.constant dense<0.000000e+00> : vector<128xf32>
    %reduce_sum3A_36 = vector.multi_reduction <add>, %add3A_24, %reduce_sum3A_35 [0] : vector<10000x128xf32> to vector<128xf32>
    %broadcast_in_dim3A = vector.shape_cast %reduce_sum3A_36 : vector<128xf32> to vector<1x128xf32>
    %div3A_37 = arith.constant 1.000000e+04 : f32
    %div3A_38 = vector.broadcast %div3A_37 : f32 to vector<1x128xf32>
    %div3A_39 = arith.divf %broadcast_in_dim3A, %div3A_38 : vector<1x128xf32>
    %sub3A = vector.broadcast %div3A_39 : vector<1x128xf32> to vector<10000x128xf32>
    %sub3A_40 = arith.subf %add3A_24, %sub3A : vector<10000x128xf32>
    %square3A = arith.mulf %sub3A_40, %sub3A_40 : vector<10000x128xf32>
    %convert_element_type3A = arith.sitofp %jit3A : i32 to f32
    %sub3A_41 = arith.constant 1.000000e+04 : f32
    %sub3A_42 = arith.subf %sub3A_41, %convert_element_type3A : f32
    %reduce_sum3A_43 = arith.constant dense<0.000000e+00> : vector<128xf32>
    %reduce_sum3A_44 = vector.multi_reduction <add>, %square3A, %reduce_sum3A_43 [0] : vector<10000x128xf32> to vector<128xf32>
    %div3A_45 = vector.broadcast %sub3A_42 : f32 to vector<128xf32>
    %div3A_46 = arith.divf %reduce_sum3A_44, %div3A_45 : vector<128xf32>
    %gt3A = arith.constant 0.000000e+00 : f32
    %gt3A_47 = arith.cmpf ogt, %sub3A_42, %gt3A : f32
    %jit3A_48 = arith.constant 0x7FC00000 : f32
    %broadcast_in_dim3A_49 = vector.broadcast %jit3A_48 : f32 to vector<128xf32>
    %select_n3A = arith.select %gt3A_47, %div3A_46, %broadcast_in_dim3A_49 : vector<128xf32>
    %broadcast_in_dim3A_50 = vector.shape_cast %div3A_34 : vector<128xf32> to vector<1x128xf32>
    %sub3A_51 = vector.broadcast %broadcast_in_dim3A_50 : vector<1x128xf32> to vector<10000x128xf32>
    %sub3A_52 = arith.subf %add3A_24, %sub3A_51 : vector<10000x128xf32>
    %add3A_53 = arith.constant 9.99999974E-6 : f32
    %add3A_54 = vector.broadcast %add3A_53 : f32 to vector<128xf32>
    %add3A_55 = arith.addf %select_n3A, %add3A_54 : vector<128xf32>
    %sqrt3A = math.sqrt %add3A_55 : vector<128xf32>
    %broadcast_in_dim3A_56 = vector.shape_cast %sqrt3A : vector<128xf32> to vector<1x128xf32>
    %div3A_57 = vector.broadcast %broadcast_in_dim3A_56 : vector<1x128xf32> to vector<10000x128xf32>
    %div3A_58 = arith.divf %sub3A_52, %div3A_57 : vector<10000x128xf32>
    %mul3A_59 = vector.broadcast %get3A_27 : vector<1x128xf32> to vector<10000x128xf32>
    %mul3A_60 = arith.mulf %div3A_58, %mul3A_59 : vector<10000x128xf32>
    %add3A_61 = vector.broadcast %get3A_30 : vector<1x128xf32> to vector<10000x128xf32>
    %add3A_62 = arith.addf %mul3A_60, %add3A_61 : vector<10000x128xf32>
    %get3A_63 = arith.constant 0 : index
    %get3A_64 = arith.constant 0 : index
    %get3A_65 = vector.load %arg4[%get3A_63, %get3A_64] : memref<128x256xf32, #tpu.memory_space<vmem>>, vector<128x256xf32>
    %dot_general3A_66 = arith.constant dense<0.000000e+00> : vector<10000x256xf32>
    %dot_general3A_67 = tpu.matmul %add3A_62, %get3A_65, %dot_general3A_66 {dimension_numbers = #tpu.dot_dimension_numbers<[1], [0], [0], [1], [0, 0, 1, 1], [], []>, transpose_lhs_hint = false} : vector<10000x128xf32>, vector<128x256xf32>, vector<10000x256xf32> -> vector<10000x256xf32>
    %get3A_68 = arith.constant 0 : index
    %get3A_69 = arith.constant 0 : index
    %get3A_70 = vector.load %arg5[%get3A_68, %get3A_69] : memref<1x256xf32, #tpu.memory_space<vmem>>, vector<1x256xf32>
    %add3A_71 = vector.broadcast %get3A_70 : vector<1x256xf32> to vector<10000x256xf32>
    %add3A_72 = arith.addf %dot_general3A_67, %add3A_71 : vector<10000x256xf32>
    %max3A = arith.constant 0.000000e+00 : f32
    %max3A_73 = vector.broadcast %max3A : f32 to vector<10000x256xf32>
    %max3A_74 = arith.maximumf %add3A_72, %max3A_73 : vector<10000x256xf32>
    %get3A_75 = arith.constant 0 : index
    %get3A_76 = arith.constant 0 : index
    %get3A_77 = vector.load %arg6[%get3A_75, %get3A_76] : memref<256x128xf32, #tpu.memory_space<vmem>>, vector<256x128xf32>
    %dot_general3A_78 = arith.constant dense<0.000000e+00> : vector<10000x128xf32>
    %dot_general3A_79 = tpu.matmul %max3A_74, %get3A_77, %dot_general3A_78 {dimension_numbers = #tpu.dot_dimension_numbers<[1], [0], [0], [1], [0, 0, 1, 1], [], []>, transpose_lhs_hint = false} : vector<10000x256xf32>, vector<256x128xf32>, vector<10000x128xf32> -> vector<10000x128xf32>
    %get3A_80 = arith.constant 0 : index
    %get3A_81 = arith.constant 0 : index
    %get3A_82 = vector.load %arg7[%get3A_80, %get3A_81] : memref<1x128xf32, #tpu.memory_space<vmem>>, vector<1x128xf32>
    %add3A_83 = vector.broadcast %get3A_82 : vector<1x128xf32> to vector<10000x128xf32>
    %add3A_84 = arith.addf %dot_general3A_79, %add3A_83 : vector<10000x128xf32>
    %get3A_85 = arith.constant 0 : index
    %get3A_86 = arith.constant 0 : index
    %get3A_87 = vector.load %arg8[%get3A_85, %get3A_86] : memref<1x128xf32, #tpu.memory_space<vmem>>, vector<1x128xf32>
    %get3A_88 = arith.constant 0 : index
    %get3A_89 = arith.constant 0 : index
    %get3A_90 = vector.load %arg9[%get3A_88, %get3A_89] : memref<1x128xf32, #tpu.memory_space<vmem>>, vector<1x128xf32>
    %reduce_sum3A_91 = arith.constant dense<0.000000e+00> : vector<128xf32>
    %reduce_sum3A_92 = vector.multi_reduction <add>, %add3A_84, %reduce_sum3A_91 [0] : vector<10000x128xf32> to vector<128xf32>
    %div3A_93 = arith.constant 1.000000e+04 : f32
    %div3A_94 = vector.broadcast %div3A_93 : f32 to vector<128xf32>
    %div3A_95 = arith.divf %reduce_sum3A_92, %div3A_94 : vector<128xf32>
    %jit3A_96 = arith.constant 0 : i32
    %reduce_sum3A_97 = arith.constant dense<0.000000e+00> : vector<128xf32>
    %reduce_sum3A_98 = vector.multi_reduction <add>, %add3A_84, %reduce_sum3A_97 [0] : vector<10000x128xf32> to vector<128xf32>
    %broadcast_in_dim3A_99 = vector.shape_cast %reduce_sum3A_98 : vector<128xf32> to vector<1x128xf32>
    %div3A_100 = arith.constant 1.000000e+04 : f32
    %div3A_101 = vector.broadcast %div3A_100 : f32 to vector<1x128xf32>
    %div3A_102 = arith.divf %broadcast_in_dim3A_99, %div3A_101 : vector<1x128xf32>
    %sub3A_103 = vector.broadcast %div3A_102 : vector<1x128xf32> to vector<10000x128xf32>
    %sub3A_104 = arith.subf %add3A_84, %sub3A_103 : vector<10000x128xf32>
    %square3A_105 = arith.mulf %sub3A_104, %sub3A_104 : vector<10000x128xf32>
    %convert_element_type3A_106 = arith.sitofp %jit3A_96 : i32 to f32
    %sub3A_107 = arith.constant 1.000000e+04 : f32
    %sub3A_108 = arith.subf %sub3A_107, %convert_element_type3A_106 : f32
    %reduce_sum3A_109 = arith.constant dense<0.000000e+00> : vector<128xf32>
    %reduce_sum3A_110 = vector.multi_reduction <add>, %square3A_105, %reduce_sum3A_109 [0] : vector<10000x128xf32> to vector<128xf32>
    %div3A_111 = vector.broadcast %sub3A_108 : f32 to vector<128xf32>
    %div3A_112 = arith.divf %reduce_sum3A_110, %div3A_111 : vector<128xf32>
    %gt3A_113 = arith.constant 0.000000e+00 : f32
    %gt3A_114 = arith.cmpf ogt, %sub3A_108, %gt3A_113 : f32
    %jit3A_115 = arith.constant 0x7FC00000 : f32
    %broadcast_in_dim3A_116 = vector.broadcast %jit3A_115 : f32 to vector<128xf32>
    %select_n3A_117 = arith.select %gt3A_114, %div3A_112, %broadcast_in_dim3A_116 : vector<128xf32>
    %broadcast_in_dim3A_118 = vector.shape_cast %div3A_95 : vector<128xf32> to vector<1x128xf32>
    %sub3A_119 = vector.broadcast %broadcast_in_dim3A_118 : vector<1x128xf32> to vector<10000x128xf32>
    %sub3A_120 = arith.subf %add3A_84, %sub3A_119 : vector<10000x128xf32>
    %add3A_121 = arith.constant 9.99999974E-6 : f32
    %add3A_122 = vector.broadcast %add3A_121 : f32 to vector<128xf32>
    %add3A_123 = arith.addf %select_n3A_117, %add3A_122 : vector<128xf32>
    %sqrt3A_124 = math.sqrt %add3A_123 : vector<128xf32>
    %broadcast_in_dim3A_125 = vector.shape_cast %sqrt3A_124 : vector<128xf32> to vector<1x128xf32>
    %div3A_126 = vector.broadcast %broadcast_in_dim3A_125 : vector<1x128xf32> to vector<10000x128xf32>
    %div3A_127 = arith.divf %sub3A_120, %div3A_126 : vector<10000x128xf32>
    %mul3A_128 = vector.broadcast %get3A_87 : vector<1x128xf32> to vector<10000x128xf32>
    %mul3A_129 = arith.mulf %div3A_127, %mul3A_128 : vector<10000x128xf32>
    %add3A_130 = vector.broadcast %get3A_90 : vector<1x128xf32> to vector<10000x128xf32>
    %add3A_131 = arith.addf %mul3A_129, %add3A_130 : vector<10000x128xf32>
    %swap3A = arith.constant 0 : index
    %swap3A_132 = arith.constant 0 : index
    %swap3A_133 = vector.load %arg14[%swap3A, %swap3A_132] : memref<10000x128xf32, #tpu.memory_space<vmem>>, vector<10000x128xf32>
    tpu.vector_store %arg14[%swap3A, %swap3A_132], %add3A_131 {strides = array<i32>} : memref<10000x128xf32, #tpu.memory_space<vmem>>, vector<10000x128xf32>,
    %get3A_134 = arith.constant 0 : index
    %get3A_135 = arith.constant 0 : index
    %get3A_136 = vector.load %arg11[%get3A_134, %get3A_135] : memref<128x128xf32, #tpu.memory_space<vmem>>, vector<128x128xf32>
    %dot_general3A_137 = arith.constant dense<0.000000e+00> : vector<10000x128xf32>
    %dot_general3A_138 = tpu.matmul %add3A_131, %get3A_136, %dot_general3A_137 {dimension_numbers = #tpu.dot_dimension_numbers<[1], [0], [0], [1], [0, 0, 1, 1], [], []>, transpose_lhs_hint = false} : vector<10000x128xf32>, vector<128x128xf32>, vector<10000x128xf32> -> vector<10000x128xf32>
    %get3A_139 = arith.constant 0 : index
    %get3A_140 = arith.constant 0 : index
    %get3A_141 = vector.load %arg12[%get3A_139, %get3A_140] : memref<128x144xf32, #tpu.memory_space<vmem>>, vector<128x144xf32>
    %dot_general3A_142 = arith.constant dense<0.000000e+00> : vector<10000x144xf32>
    %dot_general3A_143 = tpu.matmul %dot_general3A_138, %get3A_141, %dot_general3A_142 {dimension_numbers = #tpu.dot_dimension_numbers<[1], [0], [0], [1], [0, 0, 1, 1], [], []>, transpose_lhs_hint = false} : vector<10000x128xf32>, vector<128x144xf32>, vector<10000x144xf32> -> vector<10000x144xf32>
    %swap3A_144 = arith.constant 0 : index
    %swap3A_145 = arith.constant 0 : index
    %swap3A_146 = vector.load %arg15[%swap3A_144, %swap3A_145] : memref<10000x144xf32, #tpu.memory_space<vmem>>, vector<10000x144xf32>
    tpu.vector_store %arg15[%swap3A_144, %swap3A_145], %dot_general3A_143 {strides = array<i32>} : memref<10000x144xf32, #tpu.memory_space<vmem>>, vector<10000x144xf32>,
    %get3A_147 = arith.constant 0 : index
    %get3A_148 = arith.constant 0 : index
    %get3A_149 = vector.load %arg13[%get3A_147, %get3A_148] : memref<128x16xf32, #tpu.memory_space<vmem>>, vector<128x16xf32>
    %dot_general3A_150 = arith.constant dense<0.000000e+00> : vector<10000x16xf32>
    %dot_general3A_151 = tpu.matmul %dot_general3A_138, %get3A_149, %dot_general3A_150 {dimension_numbers = #tpu.dot_dimension_numbers<[1], [0], [0], [1], [0, 0, 1, 1], [], []>, transpose_lhs_hint = false} : vector<10000x128xf32>, vector<128x16xf32>, vector<10000x16xf32> -> vector<10000x16xf32>
    %swap3A_152 = arith.constant 0 : index
    %swap3A_153 = arith.constant 0 : index
    %swap3A_154 = vector.load %arg16[%swap3A_152, %swap3A_153] : memref<10000x16xf32, #tpu.memory_space<vmem>>, vector<10000x16xf32>
    tpu.vector_store %arg16[%swap3A_152, %swap3A_153], %dot_general3A_151 {strides = array<i32>} : memref<10000x16xf32, #tpu.memory_space<vmem>>, vector<10000x16xf32>,
    return
  }
}

module attributes {stable_mosaic.version = 14 : i64} {
  func.func @_post_body(%arg0: memref<2x10240x144xf32, #tpu.memory_space<vmem>>, %arg1: memref<1x128xf32, #tpu.memory_space<vmem>>, %arg2: memref<1x128xf32, #tpu.memory_space<vmem>>, %arg3: memref<1x128xf32, #tpu.memory_space<vmem>>, %arg4: memref<128x256xf32, #tpu.memory_space<vmem>>, %arg5: memref<1x256xf32, #tpu.memory_space<vmem>>, %arg6: memref<256x128xf32, #tpu.memory_space<vmem>>, %arg7: memref<1x128xf32, #tpu.memory_space<vmem>>, %arg8: memref<1x128xf32, #tpu.memory_space<vmem>>, %arg9: memref<1x128xf32, #tpu.memory_space<vmem>>, %arg10: memref<4x128xf32, #tpu.memory_space<vmem>>, %arg11: memref<10000x128xf32, #tpu.memory_space<vmem>>, %arg12: memref<10000x128xf32, #tpu.memory_space<vmem>>, %arg13: memref<128x128xf32, #tpu.memory_space<vmem>>, %arg14: memref<128x128xf32, #tpu.memory_space<vmem>>, %arg15: memref<128x128xf32, #tpu.memory_space<vmem>>, %arg16: memref<1x128xf32, #tpu.memory_space<vmem>>, %arg17: memref<1x128xf32, #tpu.memory_space<vmem>>, %arg18: memref<128x1xf32, #tpu.memory_space<vmem>>, %arg19: memref<10000x1xf32, #tpu.memory_space<vmem>>) attributes {dimension_semantics = [], scalar_prefetch = 0 : i64, scratch_operands = 0 : i64, tpu.core_type = #tpu.core_type<tc>} {
    %get3A = arith.constant 0 : index
    %get3A_0 = arith.constant 0 : index
    %get3A_1 = arith.constant 0 : index
    %get3A_2 = vector.load %arg0[%get3A, %get3A_0, %get3A_1] : memref<2x10240x144xf32, #tpu.memory_space<vmem>>, vector<1x10240x144xf32>
    %get3A_3 = vector.shape_cast %get3A_2 : vector<1x10240x144xf32> to vector<10240x144xf32>
    %get3A_4 = arith.constant 1 : index
    %get3A_5 = arith.constant 0 : index
    %get3A_6 = arith.constant 0 : index
    %get3A_7 = vector.load %arg0[%get3A_4, %get3A_5, %get3A_6] : memref<2x10240x144xf32, #tpu.memory_space<vmem>>, vector<1x10240x144xf32>
    %get3A_8 = vector.shape_cast %get3A_7 : vector<1x10240x144xf32> to vector<10240x144xf32>
    %add3A = arith.addf %get3A_3, %get3A_8 : vector<10240x144xf32>
    %slice3A = vector.extract_strided_slice %add3A {offsets = [0, 0], sizes = [10000, 144], strides = [1, 1]} : vector<10240x144xf32> to vector<10000x144xf32>
    %slice3A_9 = vector.extract_strided_slice %slice3A {offsets = [0, 128], sizes = [10000, 4], strides = [1, 1]} : vector<10000x144xf32> to vector<10000x4xf32>
    %add3A_10 = arith.constant 9.99999971E-10 : f32
    %add3A_11 = vector.broadcast %add3A_10 : f32 to vector<10000x4xf32>
    %add3A_12 = arith.addf %slice3A_9, %add3A_11 : vector<10000x4xf32>
    %div3A = arith.constant 1.000000e+00 : f32
    %div3A_13 = vector.broadcast %div3A : f32 to vector<10000x4xf32>
    %div3A_14 = arith.divf %div3A_13, %add3A_12 : vector<10000x4xf32>
    %slice3A_15 = vector.extract_strided_slice %slice3A {offsets = [0, 0], sizes = [10000, 128], strides = [1, 1]} : vector<10000x144xf32> to vector<10000x128xf32>
    %get3A_16 = arith.constant 0 : index
    %get3A_17 = arith.constant 0 : index
    %get3A_18 = vector.load %arg10[%get3A_16, %get3A_17] : memref<4x128xf32, #tpu.memory_space<vmem>>, vector<4x128xf32>
    %dot_general3A = arith.constant dense<0.000000e+00> : vector<10000x128xf32>
    %dot_general3A_19 = tpu.matmul %div3A_14, %get3A_18, %dot_general3A {dimension_numbers = #tpu.dot_dimension_numbers<[1], [0], [0], [1], [0, 0, 1, 1], [], []>, transpose_lhs_hint = false} : vector<10000x4xf32>, vector<4x128xf32>, vector<10000x128xf32> -> vector<10000x128xf32>
    %mul3A = arith.mulf %slice3A_15, %dot_general3A_19 : vector<10000x128xf32>
    %get3A_20 = arith.constant 0 : index
    %get3A_21 = arith.constant 0 : index
    %get3A_22 = vector.load %arg1[%get3A_20, %get3A_21] : memref<1x128xf32, #tpu.memory_space<vmem>>, vector<1x128xf32>
    %add3A_23 = vector.broadcast %get3A_22 : vector<1x128xf32> to vector<10000x128xf32>
    %add3A_24 = arith.addf %mul3A, %add3A_23 : vector<10000x128xf32>
    %get3A_25 = arith.constant 0 : index
    %get3A_26 = arith.constant 0 : index
    %get3A_27 = vector.load %arg2[%get3A_25, %get3A_26] : memref<1x128xf32, #tpu.memory_space<vmem>>, vector<1x128xf32>
    %get3A_28 = arith.constant 0 : index
    %get3A_29 = arith.constant 0 : index
    %get3A_30 = vector.load %arg3[%get3A_28, %get3A_29] : memref<1x128xf32, #tpu.memory_space<vmem>>, vector<1x128xf32>
    %reduce_sum3A = arith.constant dense<0.000000e+00> : vector<128xf32>
    %reduce_sum3A_31 = vector.multi_reduction <add>, %add3A_24, %reduce_sum3A [0] : vector<10000x128xf32> to vector<128xf32>
    %div3A_32 = arith.constant 1.000000e+04 : f32
    %div3A_33 = vector.broadcast %div3A_32 : f32 to vector<128xf32>
    %div3A_34 = arith.divf %reduce_sum3A_31, %div3A_33 : vector<128xf32>
    %jit3A = arith.constant 0 : i32
    %reduce_sum3A_35 = arith.constant dense<0.000000e+00> : vector<128xf32>
    %reduce_sum3A_36 = vector.multi_reduction <add>, %add3A_24, %reduce_sum3A_35 [0] : vector<10000x128xf32> to vector<128xf32>
    %broadcast_in_dim3A = vector.shape_cast %reduce_sum3A_36 : vector<128xf32> to vector<1x128xf32>
    %div3A_37 = arith.constant 1.000000e+04 : f32
    %div3A_38 = vector.broadcast %div3A_37 : f32 to vector<1x128xf32>
    %div3A_39 = arith.divf %broadcast_in_dim3A, %div3A_38 : vector<1x128xf32>
    %sub3A = vector.broadcast %div3A_39 : vector<1x128xf32> to vector<10000x128xf32>
    %sub3A_40 = arith.subf %add3A_24, %sub3A : vector<10000x128xf32>
    %square3A = arith.mulf %sub3A_40, %sub3A_40 : vector<10000x128xf32>
    %convert_element_type3A = arith.sitofp %jit3A : i32 to f32
    %sub3A_41 = arith.constant 1.000000e+04 : f32
    %sub3A_42 = arith.subf %sub3A_41, %convert_element_type3A : f32
    %reduce_sum3A_43 = arith.constant dense<0.000000e+00> : vector<128xf32>
    %reduce_sum3A_44 = vector.multi_reduction <add>, %square3A, %reduce_sum3A_43 [0] : vector<10000x128xf32> to vector<128xf32>
    %div3A_45 = vector.broadcast %sub3A_42 : f32 to vector<128xf32>
    %div3A_46 = arith.divf %reduce_sum3A_44, %div3A_45 : vector<128xf32>
    %gt3A = arith.constant 0.000000e+00 : f32
    %gt3A_47 = arith.cmpf ogt, %sub3A_42, %gt3A : f32
    %jit3A_48 = arith.constant 0x7FC00000 : f32
    %broadcast_in_dim3A_49 = vector.broadcast %jit3A_48 : f32 to vector<128xf32>
    %select_n3A = arith.select %gt3A_47, %div3A_46, %broadcast_in_dim3A_49 : vector<128xf32>
    %broadcast_in_dim3A_50 = vector.shape_cast %div3A_34 : vector<128xf32> to vector<1x128xf32>
    %sub3A_51 = vector.broadcast %broadcast_in_dim3A_50 : vector<1x128xf32> to vector<10000x128xf32>
    %sub3A_52 = arith.subf %add3A_24, %sub3A_51 : vector<10000x128xf32>
    %add3A_53 = arith.constant 9.99999974E-6 : f32
    %add3A_54 = vector.broadcast %add3A_53 : f32 to vector<128xf32>
    %add3A_55 = arith.addf %select_n3A, %add3A_54 : vector<128xf32>
    %sqrt3A = math.sqrt %add3A_55 : vector<128xf32>
    %broadcast_in_dim3A_56 = vector.shape_cast %sqrt3A : vector<128xf32> to vector<1x128xf32>
    %div3A_57 = vector.broadcast %broadcast_in_dim3A_56 : vector<1x128xf32> to vector<10000x128xf32>
    %div3A_58 = arith.divf %sub3A_52, %div3A_57 : vector<10000x128xf32>
    %mul3A_59 = vector.broadcast %get3A_27 : vector<1x128xf32> to vector<10000x128xf32>
    %mul3A_60 = arith.mulf %div3A_58, %mul3A_59 : vector<10000x128xf32>
    %add3A_61 = vector.broadcast %get3A_30 : vector<1x128xf32> to vector<10000x128xf32>
    %add3A_62 = arith.addf %mul3A_60, %add3A_61 : vector<10000x128xf32>
    %get3A_63 = arith.constant 0 : index
    %get3A_64 = arith.constant 0 : index
    %get3A_65 = vector.load %arg4[%get3A_63, %get3A_64] : memref<128x256xf32, #tpu.memory_space<vmem>>, vector<128x256xf32>
    %dot_general3A_66 = arith.constant dense<0.000000e+00> : vector<10000x256xf32>
    %dot_general3A_67 = tpu.matmul %add3A_62, %get3A_65, %dot_general3A_66 {dimension_numbers = #tpu.dot_dimension_numbers<[1], [0], [0], [1], [0, 0, 1, 1], [], []>, transpose_lhs_hint = false} : vector<10000x128xf32>, vector<128x256xf32>, vector<10000x256xf32> -> vector<10000x256xf32>
    %get3A_68 = arith.constant 0 : index
    %get3A_69 = arith.constant 0 : index
    %get3A_70 = vector.load %arg5[%get3A_68, %get3A_69] : memref<1x256xf32, #tpu.memory_space<vmem>>, vector<1x256xf32>
    %add3A_71 = vector.broadcast %get3A_70 : vector<1x256xf32> to vector<10000x256xf32>
    %add3A_72 = arith.addf %dot_general3A_67, %add3A_71 : vector<10000x256xf32>
    %max3A = arith.constant 0.000000e+00 : f32
    %max3A_73 = vector.broadcast %max3A : f32 to vector<10000x256xf32>
    %max3A_74 = arith.maximumf %add3A_72, %max3A_73 : vector<10000x256xf32>
    %get3A_75 = arith.constant 0 : index
    %get3A_76 = arith.constant 0 : index
    %get3A_77 = vector.load %arg6[%get3A_75, %get3A_76] : memref<256x128xf32, #tpu.memory_space<vmem>>, vector<256x128xf32>
    %dot_general3A_78 = arith.constant dense<0.000000e+00> : vector<10000x128xf32>
    %dot_general3A_79 = tpu.matmul %max3A_74, %get3A_77, %dot_general3A_78 {dimension_numbers = #tpu.dot_dimension_numbers<[1], [0], [0], [1], [0, 0, 1, 1], [], []>, transpose_lhs_hint = false} : vector<10000x256xf32>, vector<256x128xf32>, vector<10000x128xf32> -> vector<10000x128xf32>
    %get3A_80 = arith.constant 0 : index
    %get3A_81 = arith.constant 0 : index
    %get3A_82 = vector.load %arg7[%get3A_80, %get3A_81] : memref<1x128xf32, #tpu.memory_space<vmem>>, vector<1x128xf32>
    %add3A_83 = vector.broadcast %get3A_82 : vector<1x128xf32> to vector<10000x128xf32>
    %add3A_84 = arith.addf %dot_general3A_79, %add3A_83 : vector<10000x128xf32>
    %get3A_85 = arith.constant 0 : index
    %get3A_86 = arith.constant 0 : index
    %get3A_87 = vector.load %arg8[%get3A_85, %get3A_86] : memref<1x128xf32, #tpu.memory_space<vmem>>, vector<1x128xf32>
    %get3A_88 = arith.constant 0 : index
    %get3A_89 = arith.constant 0 : index
    %get3A_90 = vector.load %arg9[%get3A_88, %get3A_89] : memref<1x128xf32, #tpu.memory_space<vmem>>, vector<1x128xf32>
    %reduce_sum3A_91 = arith.constant dense<0.000000e+00> : vector<128xf32>
    %reduce_sum3A_92 = vector.multi_reduction <add>, %add3A_84, %reduce_sum3A_91 [0] : vector<10000x128xf32> to vector<128xf32>
    %div3A_93 = arith.constant 1.000000e+04 : f32
    %div3A_94 = vector.broadcast %div3A_93 : f32 to vector<128xf32>
    %div3A_95 = arith.divf %reduce_sum3A_92, %div3A_94 : vector<128xf32>
    %jit3A_96 = arith.constant 0 : i32
    %reduce_sum3A_97 = arith.constant dense<0.000000e+00> : vector<128xf32>
    %reduce_sum3A_98 = vector.multi_reduction <add>, %add3A_84, %reduce_sum3A_97 [0] : vector<10000x128xf32> to vector<128xf32>
    %broadcast_in_dim3A_99 = vector.shape_cast %reduce_sum3A_98 : vector<128xf32> to vector<1x128xf32>
    %div3A_100 = arith.constant 1.000000e+04 : f32
    %div3A_101 = vector.broadcast %div3A_100 : f32 to vector<1x128xf32>
    %div3A_102 = arith.divf %broadcast_in_dim3A_99, %div3A_101 : vector<1x128xf32>
    %sub3A_103 = vector.broadcast %div3A_102 : vector<1x128xf32> to vector<10000x128xf32>
    %sub3A_104 = arith.subf %add3A_84, %sub3A_103 : vector<10000x128xf32>
    %square3A_105 = arith.mulf %sub3A_104, %sub3A_104 : vector<10000x128xf32>
    %convert_element_type3A_106 = arith.sitofp %jit3A_96 : i32 to f32
    %sub3A_107 = arith.constant 1.000000e+04 : f32
    %sub3A_108 = arith.subf %sub3A_107, %convert_element_type3A_106 : f32
    %reduce_sum3A_109 = arith.constant dense<0.000000e+00> : vector<128xf32>
    %reduce_sum3A_110 = vector.multi_reduction <add>, %square3A_105, %reduce_sum3A_109 [0] : vector<10000x128xf32> to vector<128xf32>
    %div3A_111 = vector.broadcast %sub3A_108 : f32 to vector<128xf32>
    %div3A_112 = arith.divf %reduce_sum3A_110, %div3A_111 : vector<128xf32>
    %gt3A_113 = arith.constant 0.000000e+00 : f32
    %gt3A_114 = arith.cmpf ogt, %sub3A_108, %gt3A_113 : f32
    %jit3A_115 = arith.constant 0x7FC00000 : f32
    %broadcast_in_dim3A_116 = vector.broadcast %jit3A_115 : f32 to vector<128xf32>
    %select_n3A_117 = arith.select %gt3A_114, %div3A_112, %broadcast_in_dim3A_116 : vector<128xf32>
    %broadcast_in_dim3A_118 = vector.shape_cast %div3A_95 : vector<128xf32> to vector<1x128xf32>
    %sub3A_119 = vector.broadcast %broadcast_in_dim3A_118 : vector<1x128xf32> to vector<10000x128xf32>
    %sub3A_120 = arith.subf %add3A_84, %sub3A_119 : vector<10000x128xf32>
    %add3A_121 = arith.constant 9.99999974E-6 : f32
    %add3A_122 = vector.broadcast %add3A_121 : f32 to vector<128xf32>
    %add3A_123 = arith.addf %select_n3A_117, %add3A_122 : vector<128xf32>
    %sqrt3A_124 = math.sqrt %add3A_123 : vector<128xf32>
    %broadcast_in_dim3A_125 = vector.shape_cast %sqrt3A_124 : vector<128xf32> to vector<1x128xf32>
    %div3A_126 = vector.broadcast %broadcast_in_dim3A_125 : vector<1x128xf32> to vector<10000x128xf32>
    %div3A_127 = arith.divf %sub3A_120, %div3A_126 : vector<10000x128xf32>
    %mul3A_128 = vector.broadcast %get3A_87 : vector<1x128xf32> to vector<10000x128xf32>
    %mul3A_129 = arith.mulf %div3A_127, %mul3A_128 : vector<10000x128xf32>
    %add3A_130 = vector.broadcast %get3A_90 : vector<1x128xf32> to vector<10000x128xf32>
    %add3A_131 = arith.addf %mul3A_129, %add3A_130 : vector<10000x128xf32>
    %get3A_132 = arith.constant 0 : index
    %get3A_133 = arith.constant 0 : index
    %get3A_134 = vector.load %arg11[%get3A_132, %get3A_133] : memref<10000x128xf32, #tpu.memory_space<vmem>>, vector<10000x128xf32>
    %get3A_135 = arith.constant 0 : index
    %get3A_136 = arith.constant 0 : index
    %get3A_137 = vector.load %arg13[%get3A_135, %get3A_136] : memref<128x128xf32, #tpu.memory_space<vmem>>, vector<128x128xf32>
    %dot_general3A_138 = arith.constant dense<0.000000e+00> : vector<10000x128xf32>
    %dot_general3A_139 = tpu.matmul %get3A_134, %get3A_137, %dot_general3A_138 {dimension_numbers = #tpu.dot_dimension_numbers<[1], [0], [0], [1], [0, 0, 1, 1], [], []>, transpose_lhs_hint = false} : vector<10000x128xf32>, vector<128x128xf32>, vector<10000x128xf32> -> vector<10000x128xf32>
    %get3A_140 = arith.constant 0 : index
    %get3A_141 = arith.constant 0 : index
    %get3A_142 = vector.load %arg12[%get3A_140, %get3A_141] : memref<10000x128xf32, #tpu.memory_space<vmem>>, vector<10000x128xf32>
    %get3A_143 = arith.constant 0 : index
    %get3A_144 = arith.constant 0 : index
    %get3A_145 = vector.load %arg14[%get3A_143, %get3A_144] : memref<128x128xf32, #tpu.memory_space<vmem>>, vector<128x128xf32>
    %dot_general3A_146 = arith.constant dense<0.000000e+00> : vector<10000x128xf32>
    %dot_general3A_147 = tpu.matmul %get3A_142, %get3A_145, %dot_general3A_146 {dimension_numbers = #tpu.dot_dimension_numbers<[1], [0], [0], [1], [0, 0, 1, 1], [], []>, transpose_lhs_hint = false} : vector<10000x128xf32>, vector<128x128xf32>, vector<10000x128xf32> -> vector<10000x128xf32>
    %add3A_148 = arith.addf %dot_general3A_139, %dot_general3A_147 : vector<10000x128xf32>
    %get3A_149 = arith.constant 0 : index
    %get3A_150 = arith.constant 0 : index
    %get3A_151 = vector.load %arg15[%get3A_149, %get3A_150] : memref<128x128xf32, #tpu.memory_space<vmem>>, vector<128x128xf32>
    %dot_general3A_152 = arith.constant dense<0.000000e+00> : vector<10000x128xf32>
    %dot_general3A_153 = tpu.matmul %add3A_131, %get3A_151, %dot_general3A_152 {dimension_numbers = #tpu.dot_dimension_numbers<[1], [0], [0], [1], [0, 0, 1, 1], [], []>, transpose_lhs_hint = false} : vector<10000x128xf32>, vector<128x128xf32>, vector<10000x128xf32> -> vector<10000x128xf32>
    %add3A_154 = arith.addf %add3A_148, %dot_general3A_153 : vector<10000x128xf32>
    %get3A_155 = arith.constant 0 : index
    %get3A_156 = arith.constant 0 : index
    %get3A_157 = vector.load %arg16[%get3A_155, %get3A_156] : memref<1x128xf32, #tpu.memory_space<vmem>>, vector<1x128xf32>
    %get3A_158 = arith.constant 0 : index
    %get3A_159 = arith.constant 0 : index
    %get3A_160 = vector.load %arg17[%get3A_158, %get3A_159] : memref<1x128xf32, #tpu.memory_space<vmem>>, vector<1x128xf32>
    %reduce_sum3A_161 = arith.constant dense<0.000000e+00> : vector<128xf32>
    %reduce_sum3A_162 = vector.multi_reduction <add>, %add3A_154, %reduce_sum3A_161 [0] : vector<10000x128xf32> to vector<128xf32>
    %div3A_163 = arith.constant 1.000000e+04 : f32
    %div3A_164 = vector.broadcast %div3A_163 : f32 to vector<128xf32>
    %div3A_165 = arith.divf %reduce_sum3A_162, %div3A_164 : vector<128xf32>
    %jit3A_166 = arith.constant 0 : i32
    %reduce_sum3A_167 = arith.constant dense<0.000000e+00> : vector<128xf32>
    %reduce_sum3A_168 = vector.multi_reduction <add>, %add3A_154, %reduce_sum3A_167 [0] : vector<10000x128xf32> to vector<128xf32>
    %broadcast_in_dim3A_169 = vector.shape_cast %reduce_sum3A_168 : vector<128xf32> to vector<1x128xf32>
    %div3A_170 = arith.constant 1.000000e+04 : f32
    %div3A_171 = vector.broadcast %div3A_170 : f32 to vector<1x128xf32>
    %div3A_172 = arith.divf %broadcast_in_dim3A_169, %div3A_171 : vector<1x128xf32>
    %sub3A_173 = vector.broadcast %div3A_172 : vector<1x128xf32> to vector<10000x128xf32>
    %sub3A_174 = arith.subf %add3A_154, %sub3A_173 : vector<10000x128xf32>
    %square3A_175 = arith.mulf %sub3A_174, %sub3A_174 : vector<10000x128xf32>
    %convert_element_type3A_176 = arith.sitofp %jit3A_166 : i32 to f32
    %sub3A_177 = arith.constant 1.000000e+04 : f32
    %sub3A_178 = arith.subf %sub3A_177, %convert_element_type3A_176 : f32
    %reduce_sum3A_179 = arith.constant dense<0.000000e+00> : vector<128xf32>
    %reduce_sum3A_180 = vector.multi_reduction <add>, %square3A_175, %reduce_sum3A_179 [0] : vector<10000x128xf32> to vector<128xf32>
    %div3A_181 = vector.broadcast %sub3A_178 : f32 to vector<128xf32>
    %div3A_182 = arith.divf %reduce_sum3A_180, %div3A_181 : vector<128xf32>
    %gt3A_183 = arith.constant 0.000000e+00 : f32
    %gt3A_184 = arith.cmpf ogt, %sub3A_178, %gt3A_183 : f32
    %jit3A_185 = arith.constant 0x7FC00000 : f32
    %broadcast_in_dim3A_186 = vector.broadcast %jit3A_185 : f32 to vector<128xf32>
    %select_n3A_187 = arith.select %gt3A_184, %div3A_182, %broadcast_in_dim3A_186 : vector<128xf32>
    %broadcast_in_dim3A_188 = vector.shape_cast %div3A_165 : vector<128xf32> to vector<1x128xf32>
    %sub3A_189 = vector.broadcast %broadcast_in_dim3A_188 : vector<1x128xf32> to vector<10000x128xf32>
    %sub3A_190 = arith.subf %add3A_154, %sub3A_189 : vector<10000x128xf32>
    %add3A_191 = arith.constant 9.99999974E-6 : f32
    %add3A_192 = vector.broadcast %add3A_191 : f32 to vector<128xf32>
    %add3A_193 = arith.addf %select_n3A_187, %add3A_192 : vector<128xf32>
    %sqrt3A_194 = math.sqrt %add3A_193 : vector<128xf32>
    %broadcast_in_dim3A_195 = vector.shape_cast %sqrt3A_194 : vector<128xf32> to vector<1x128xf32>
    %div3A_196 = vector.broadcast %broadcast_in_dim3A_195 : vector<1x128xf32> to vector<10000x128xf32>
    %div3A_197 = arith.divf %sub3A_190, %div3A_196 : vector<10000x128xf32>
    %mul3A_198 = vector.broadcast %get3A_157 : vector<1x128xf32> to vector<10000x128xf32>
    %mul3A_199 = arith.mulf %div3A_197, %mul3A_198 : vector<10000x128xf32>
    %add3A_200 = vector.broadcast %get3A_160 : vector<1x128xf32> to vector<10000x128xf32>
    %add3A_201 = arith.addf %mul3A_199, %add3A_200 : vector<10000x128xf32>
    %max3A_202 = arith.constant 0.000000e+00 : f32
    %max3A_203 = vector.broadcast %max3A_202 : f32 to vector<10000x128xf32>
    %max3A_204 = arith.maximumf %add3A_201, %max3A_203 : vector<10000x128xf32>
    %get3A_205 = arith.constant 0 : index
    %get3A_206 = arith.constant 0 : index
    %get3A_207 = vector.load %arg18[%get3A_205, %get3A_206] : memref<128x1xf32, #tpu.memory_space<vmem>>, vector<128x1xf32>
    %dot_general3A_208 = arith.constant dense<0.000000e+00> : vector<10000x1xf32>
    %dot_general3A_209 = tpu.matmul %max3A_204, %get3A_207, %dot_general3A_208 {dimension_numbers = #tpu.dot_dimension_numbers<[1], [0], [0], [1], [0, 0, 1, 1], [], []>, transpose_lhs_hint = false} : vector<10000x128xf32>, vector<128x1xf32>, vector<10000x1xf32> -> vector<10000x1xf32>
    %swap3A = arith.constant 0 : index
    %swap3A_210 = arith.constant 0 : index
    %swap3A_211 = vector.load %arg19[%swap3A, %swap3A_210] : memref<10000x1xf32, #tpu.memory_space<vmem>>, vector<10000x1xf32>
    tpu.vector_store %arg19[%swap3A, %swap3A_210], %dot_general3A_209 {strides = array<i32>} : memref<10000x1xf32, #tpu.memory_space<vmem>>, vector<10000x1xf32>,
    return
  }
}

</mosaic_0001>

<sc_bundles>
// kernel: kernel.10.cloned.1.call-start
scs
__scs_entry_jumppad:
0x0: {  	(pc) =	sbr.rel $0x88, $3  }
0x1: {  	(tag) =	ssettag $0x0;
	lr =	simm.s32 $0x1  }
0x2: {  	[smem:$0x3F81] =	sst lr;
	_ =	strace $0xD0000000  }
0x3: {  	_ = 	snop  }
0x4: {  	_ = 	snop  }
0x5: {  	_ = 	snop  }
0x6: {  	_ = 	snop  }
0x7: {  	_ = 	snop  }
__scs_overlays_trampoline_lowered:
0x8: {  	[smem:$0x3F90] =	sst s0  }
0x9: {  	[smem:$0x3F91] =	sst s1  }
0xa: {  	[smem:$0x3F92] =	sst s2  }
0xb: {  	[smem:$0x3F93] =	sst s3  }
0xc: {  	[smem:$0x3F94] =	sst s4  }
0xd: {  	[smem:$0x3F95] =	sst s5  }
0xe: {  	[smem:$0x3F96] =	sst s6  }
0xf: {  	[smem:$0x3F97] =	sst s7  }
0x10: {  	[smem:$0x3F98] =	sst s8  }
0x11: {  	[smem:$0x3F99] =	sst s9;
	s0 =	simm.s32 @!p0 $0x0  }
0x12: {  	s1 =	sld [smem:$0x3F7F];
	s0 =	simm.s32 @p0 $0x1  }
0x13: {  	[smem:$0x3F9A] =	sst s0;
	s0 =	simm.s32 @!p1 $0x0  }
0x14: {  	s2 =	sld [smem:$0x3F7E];
	s0 =	simm.s32 @p1 $0x1  }
0x15: {  	[smem:$0x3F9B] =	sst s0;
	s0 =	simm.s32 @!p2 $0x0  }
0x16: {  	s3 =	sld [smem:$0x3FDB];
	s0 =	simm.s32 @p2 $0x1  }
0x17: {  	s4 =	simm.s32 $0x1BF5;
	[smem:$0x3F9D] =	sst s0  }
0x18: {  	s0 =	sld [smem:$0x3F80];
	_ =	swait.ge [sflag:s4], $0x0  }
0x19: {  	s7 =	sld [smem:$0x3F81]  }
0x1a: {  	s8 =	sadd.s32 $0xFFFFE003, lr  }
0x1b: {  	s9 =	sadd.s32 $0xFFFFFEF7, lr;
	s5 =	simm.s32 $0xFFFFFFFF;
	p2 =	slt.u32 s8, $0xFFFFF086  }
0x1c: {  	p1 =	slt.u32 s9, $0xF7A;
	s5 =	simm.s32 @!p2 $0x0  }
0x1d: {  	s5 =	simm.s32 @p1 $0x1;
	p0 =	seq.s32 s7, s2  }
0x1e: {  	s7 =	smul.u32 @!p0 $0xF7A, s2;
	p2 =	seq.s32 @!p0 s5, $0x0  }
0x1f: {  	s9 =	smul.u32 $0xF7A, s1;
	s8 =	simm.s32 @!p0 $0x1BF5;
	p2 =	por !p2, p0  }
0x20: {  	[sflag:s8] =	ssyncset.s32 @!p0 $0xFFFFF086;
	s6 =	sadd.s32 @!p0 s3, s7;
	s7 =	simm.s32 @!p0 $0x108  }
0x21: {  	s3 =	sadd.s32 s3, s9;
	s6 =	sadd.s32 @!p0 $0x88, s6;
	s7 =	simm.s32 @p2 $0x1082  }
0x22: {  	[simem:s7], [sflag:s8] =	dma.local @!p0 [hbm:s6], $0xF7A  }
0x23: {  	s9 =	sor.u32 $0xD0000000, s2;
	s6 =	simm.s32 $0x108;
	_ =	swait.ge @!p0 [sflag:s8], $0x0  }
0x24: {  	s3 =	sadd.s32 $0x88, s3;
	s6 =	simm.s32 @!p1 $0x1082;
	[sflag:s4] =	ssyncset.s32 $0xFFFFF086  }
0x25: {  	[simem:s6], [sflag:s4] =	dma.local [hbm:s3], $0xF7A  }
0x26: {  	[smem:$0x3F81] =	sst s1;
	(tag) =	ssettag s2;
	_ =	strace s9  }
0x27: {  	s1 =	sld [smem:$0x3F91]  }
0x28: {  	s2 =	sld [smem:$0x3F92]  }
0x29: {  	s4 =	sld [smem:$0x3F94]  }
0x2a: {  	p0 =	seq.s32 s5, $0x0;
	s5 =	sld [smem:$0x3F95]  }
0x2b: {  	s6 =	sld [smem:$0x3F96]  }
0x2c: {  	s7 =	sld [smem:$0x3F97]  }
0x2d: {  	s3 =	simm.s32 $0x108;
	s8 =	sld [smem:$0x3F98]  }
0x2e: {  	s3 =	simm.s32 @!p0 $0x1082;
	s9 =	sld [smem:$0x3F99]  }
0x2f: {  	lr =	sadd.s32 s0, s3;
	s0 =	sld [smem:$0x3F90]  }
0x30: {  	s3 =	sld [smem:$0x3F93]  }
0x31: {  	[smem:$0x3F9C] =	sst s10  }
0x32: {  	s10 =	sld [smem:$0x3F9A];
	_ =	sdelay $0x3  }
0x33: {  	p0 =	seq.s32 s10, $0x1;
	s10 =	sld [smem:$0x3F9C];
	_ =	sdelay $0x3  }
0x34: {  	[smem:$0x3F9C] =	sst s10  }
0x35: {  	s10 =	sld [smem:$0x3F9B];
	_ =	sdelay $0x3  }
0x36: {  	p1 =	seq.s32 s10, $0x1;
	s10 =	sld [smem:$0x3F9C];
	_ =	sdelay $0x3  }
0x37: {  	[smem:$0x3F9C] =	sst s10  }
0x38: {  	s10 =	sld [smem:$0x3F9D]  }
0x39: {  	_ = 	snop;
	(pc) =	sbr.ind lr, $3  }
0x3a: {  	_ = 	snop  }
0x3b: {  	_ = 	snop  }
0x3c: {  	p2 =	seq.s32 s10, $0x1;
	s10 =	sld [smem:$0x3F9C]  }
0x3d: {  	_ =	shalt  }
0x3e: {  	_ =	shalt  }
0x3f: {  	_ =	shalt  }
0x40: {  	_ =	shalt  }
0x41: {  	_ =	shalt  }
0x42: {  	_ =	shalt  }
0x43: {  	_ =	shalt  }
0x44: {  	_ =	shalt  }
0x45: {  	_ =	shalt  }
0x46: {  	_ =	shalt  }
0x47: {  	_ =	shalt  }
0x48: {  	_ =	shalt  }
0x49: {  	_ =	shalt  }
0x4a: {  	_ =	shalt  }
0x4b: {  	_ =	shalt  }
0x4c: {  	_ =	shalt  }
0x4d: {  	_ =	shalt  }
0x4e: {  	_ =	shalt  }
0x4f: {  	_ =	shalt  }
0x50: {  	_ =	shalt  }
0x51: {  	_ =	shalt  }
0x52: {  	_ =	shalt  }
0x53: {  	_ =	shalt  }
0x54: {  	_ =	shalt  }
0x55: {  	_ =	shalt  }
0x56: {  	_ =	shalt  }
0x57: {  	_ =	shalt  }
0x58: {  	_ =	shalt  }
0x59: {  	_ =	shalt  }
0x5a: {  	_ =	shalt  }
0x5b: {  	_ =	shalt  }
0x5c: {  	_ =	shalt  }
0x5d: {  	_ =	shalt  }
0x5e: {  	_ =	shalt  }
0x5f: {  	_ =	shalt  }
0x60: {  	_ =	shalt  }
0x61: {  	_ =	shalt  }
0x62: {  	_ =	shalt  }
0x63: {  	_ =	shalt  }
0x64: {  	_ =	shalt  }
0x65: {  	_ =	shalt  }
0x66: {  	_ =	shalt  }
0x67: {  	_ =	shalt  }
0x68: {  	_ =	shalt  }
0x69: {  	_ =	shalt  }
0x6a: {  	_ =	shalt  }
0x6b: {  	_ =	shalt  }
0x6c: {  	_ =	shalt  }
0x6d: {  	_ =	shalt  }
0x6e: {  	_ =	shalt  }
0x6f: {  	_ =	shalt  }
0x70: {  	_ =	shalt  }
0x71: {  	_ =	shalt  }
0x72: {  	_ =	shalt  }
0x73: {  	_ =	shalt  }
0x74: {  	_ =	shalt  }
0x75: {  	_ =	shalt  }
0x76: {  	_ =	shalt  }
0x77: {  	_ =	shalt  }
0x78: {  	_ =	shalt  }
0x79: {  	_ =	shalt  }
0x7a: {  	_ =	shalt  }
0x7b: {  	_ =	shalt  }
0x7c: {  	_ =	shalt  }
0x7d: {  	_ =	shalt  }
0x7e: {  	_ =	shalt  }
0x7f: {  	_ =	shalt  }
0x80: {  	_ =	shalt  }
0x81: {  	_ =	shalt  }
0x82: {  	_ =	shalt  }
0x83: {  	_ =	shalt  }
0x84: {  	_ =	shalt  }
0x85: {  	_ =	shalt  }
0x86: {  	_ =	shalt  }
0x87: {  	_ =	shalt  }
.Lfunc_end0:
.L_simem_size_0:
called_computation.1_lowered:
.L_overlay_start_0:
0x88: {  	s2 =	sld [smem:$0x3FD9]  }
0x89: {  	s3 =	sld [smem:$0x3FFE];
	_ =	sdelay $0x1  }
0x8a: {  	s1 =	srdreg.scid  }
0x8b: {  	s0 =	sand.u32 $0x1, s1  }
0x8c: {  	s16 =	sshll.u32 s0, $0xA;
	s2 =	sadd.s32 s3, s2  }
0x8d: {  	s2 =	sadd.s32 s2, s16  }
0x8e: {  	[smem:$0x3FA8] =	sst s2  }
0x8f: {  	_ = 	snop  }
0x90: {  	(tm) =	ssettm $0x1  }
0x91: {  	s17 =	sld [smem:$0x3FFB];
	_ =	sdelay $0x3  }
0x92: {  	_ =	strace s17  }
0x93: {  	s2 =	sld [smem:$0x3FFC];
	_ =	sdelay $0x3  }
0x94: {  	_ =	strace s2  }
0x95: {  	s2 =	sld [smem:$0x3FFD];
	_ =	sdelay $0x3  }
0x96: {  	_ =	strace s2  }
0x97: {  	_ =	strace $0x8FFFFFFF  }
0x98: {  	s18 =	sld [smem:$0x3FDB];
	_ =	sdelay $0x1  }
0x99: {  	s19 =	simm.s32 $_scs_section_size  }
0x9a: {  	s4 =	simm.s32 $_size__tile_overlayer_lowered;
	s5 =	simm.s32 $_tile_overlayer_lowered  }
0x9b: {  	s22 =	simm.s32 $0x1BFF;
	s21 =	sshll.u32 s5, $0x1;
	s2 =	sadd.s32 s19, s18  }
0x9c: {  	s6 =	simm.s32 $0x0;
	s20 =	sshll.u32 s4, $0x1;
	s4 =	sadd.s32 s21, s2  }
0x9d: {  	[timem:s6], [sflag:s22] =	dma.local [hbm:s4], s20  }
0x9e: {  	_ =	swait.ge [sflag:s22], s20  }
0x9f: {  	s3 =	ssub.s32 $0x0, s20;
	[sflag:s22] =	ssyncset.done $0x0  }
0xa0: {  	[sflag:s22] =	ssyncadd.s32 s3;
	_ =	sdelay $0x1  }
0xa1: {  	s23 =	simm.s32 $0x1B8B  }
0xa2: {  	_ =	swait.ge [sflag:s23], $0x1  }
0xa3: {  	[sflag:s23] =	ssyncset.done $0x0  }
0xa4: {  	s25 =	simm.s32 $0x1B8E;
	s24 =	sld [smem:$0x3FFE];
	[sflag:s23] =	ssyncadd.s32 $0xFFFFFFFF  }
0xa5: {  	s26 =	simm.s32 $execute0_lowered;
	[smem:$0x3FD2] =	sst s25  }
0xa6: {  	s4 =	sshll.u32 s26, $0x1;
	_ =	strace $0x80000049;
	[dreg:$0x1] =	wrdreg $0xFFFFFFFF  }
0xa7: {  	s28 =	simm.s32 $_size_execute0_lowered;
	s2 =	sadd.s32 s2, s4;
	[dreg:$0x0] =	wrdreg $0x0  }
0xa8: {  	s4 =	sshll.u32 s28, $0x1;
	[dreg:$0x2] =	wrdreg s2  }
0xa9: {  	[dreg:$0x3] =	wrdreg s4  }
0xaa: {  	[dreg:$0x4] =	wrdreg $0xC0  }
0xab: {  	_ =	task [dreg:s6], $0x5FFFF  }
0xac: {  	[dreg:$0x1] =	wrdreg $0xFFFFFFFF  }
0xad: {  	[dreg:$0x0] =	wrdreg $0x60  }
0xae: {  	[dreg:$0x2] =	wrdreg s24  }
0xaf: {  	[dreg:$0x3] =	wrdreg $0x0  }
0xb0: {  	[dreg:$0x4] =	wrdreg $0x9  }
0xb1: {  	_ =	task.clear_ibuf [dreg:s6], $0x5FFFF;
	_ =	strace $0x90000049  }
0xb2: {  	s29 =	simm.s32 $0x9;
	_ =	strace $0x8000004B  }
0xb3: {  	_ =	swait.ge [sflag:s29], $0x1  }
0xb4: {  	[sflag:s29] =	ssyncadd.s32 $0xFFFFFFFF  }
0xb5: {  	_ =	strace $0x9000004B  }
0xb6: {  	_ =	sfence  }
0xb7: {  	s30 =	sld [smem:$0x0];
	_ =	sdelay $0x2  }
0xb8: {  	s31 =	sshll.u32 s1, $0xD;
	s1 =	sshrl.u32 s1, $0x2  }
0xb9: {  	s3 =	sand.u32 $0x4000, s31;
	s1 =	sadd.s32 s1, s30  }
0xba: {  	s0 =	sor.u32 s3, s0;
	s1 =	sshll.u32 s1, $0x11  }
0xbb: {  	s0 =	sor.u32 s1, s0  }
0xbc: {  	s0 =	sadd.s32 $0x8F2B, s0  }
0xbd: {  	[sflag:s0] =	ssyncadd.remote.s32 $0x1  }
0xbe: {  	_ =	sfence.sel $0xFFFF  }
0xbf: {  	[dreg:$0x0] =	wrdreg $0xFFFFFFFF;
	(pc) =	sbr.abs _section_cstart, $3  }
0xc0: {  	[dreg:$0x1] =	wrdreg $0xFFFFFFFF  }
0xc1: {  	_ =	task.clear_ibuf [dreg:s6], $0x2FFFF;
	_ =	strace $0x9FFFFFFF  }
0xc2: {  	(tm) =	ssettm $0x7FFFFFFF  }
0xc3: {  	_ =	shalt  }
tec
execute0_lowered:
.L_overlay_start_1:
0x0: {  	(tag) =	ssettag $0x1  }
0x1: {  	s16 =	stileid.u32  }
0x2: {  	s5 =	smul.u32 $0x280, s16  }
0x3: {  	s0 =	srdreg.scid;
	s6 =	smul.u32 $0x2710, s16  }
0x4: {  	s1 =	rddreg [dreg:$0x0];
	s0 =	sand.u32 $0x1, s0;
	s9 =	smul.u32 $0x16800, s16  }
0x5: {  	s2 =	rddreg [dreg:$0x1];
	s3 =	simm.s32 $0x0;
	s4 =	smul.u32 $0x27100, s0  }
0x6: {  	[smem:$0x7FF] =	sst s3;
	s12 =	sadd.s32 $0x48800, s1;
	s7 =	smul.u32 $0x168000, s0  }
0x7: {  	s8 =	ssub.s32 $0x2, s0;
	_ =	strace $0x8000004A;
	s10 =	sor.u32 $0x50, s5  }
0x8: {  	s11 =	sshrl.u32 s8, $0x1;
	s5 =	sadd.s32 $0xA0, s5;
	s18 =	sadd.s32 $0xB400, s9  }
0x9: {  	s0 =	smul.u32 $0x90, s10;
	s8 =	ssub.s32 s8, s11;
	s4 =	sadd.s32 s6, s4  }
0xa: {  	s19 =	sadd.s32 s7, s9;
	s17 =	smul.u32 $0x90, s5;
	s14 =	sadd.s32 s7, s18  }
0xb: {  	s5 =	smul.u32 $0x240, s5;
	s31 =	sadd.s32 s18, s2;
	s6 =	sshrl.u32 s19, $0x3  }
0xc: {  	s24 =	sshrl.u32 s14, $0x3;
	s19 =	sadd.s32 $0x10E00, s9;
	s20 =	sadd.s32 s7, s0  }
0xd: {  	s6 =	sadd.s32 s12, s6;
	s22 =	sadd.s32 s7, s17;
	s26 =	sadd.s32 s7, s19  }
0xe: {  	s5 =	sshrl.u32 s5, $0x2;
	s28 =	sadd.s32 s0, s2;
	s29 =	sadd.s32 s17, s2  }
0xf: {  	s0 =	sadd.s32 s19, s2;
	s11 =	sshrl.u32 s20, $0x3;
	[dreg:$0x3] =	wrdreg s6  }
0x10: {  	s6 =	sadd.s32 $0x8700, s9;
	s20 =	sadd.s32 $0x13B00, s9;
	s14 =	sshrl.u32 s26, $0x3  }
0x11: {  	s5 =	sadd.s32 s5, s2;
	s21 =	sadd.s32 s12, s11;
	s13 =	sadd.s32 s7, s6  }
0x12: {  	s11 =	sshrl.u32 s22, $0x3;
	s15 =	sadd.s32 s12, s14;
	s14 =	sadd.s32 $0x3C00, s1  }
0x13: {  	s22 =	smul.u32 $0x5A000, s16;
	s16 =	sadd.s32 $0x8C00, s1;
	[dreg:$0xf] =	wrdreg s5  }
0x14: {  	s30 =	sadd.s32 s6, s2;
	s6 =	simm.s32 $0x16800;
	[dreg:$0x4] =	wrdreg s21  }
0x15: {  	s13 =	sshrl.u32 s13, $0x3;
	s11 =	sadd.s32 s12, s11;
	[dreg:$0x9] =	wrdreg s15  }
0x16: {  	s21 =	smul.u32 $0x240, s10;
	s15 =	sadd.s32 $0x12A00, s1;
	s10 =	simm.s32 $0x50  }
0x17: {  	[dreg:$0x5] =	wrdreg s11;
	s23 =	sadd.s32 s12, s13;
	s11 =	sadd.s32 s12, s24  }
0x18: {  	s24 =	smax.u32 s8, $0x1;
	s26 =	sshrl.u32 s22, $0x2;
	[dreg:$0x6] =	wrdreg s23  }
0x19: {  	s8 =	sadd.s32 $0x2D000, s22;
	[dreg:$0x7] =	wrdreg s11;
	s11 =	sadd.s32 $0xE100, s9  }
0x1a: {  	s23 =	sadd.s32 s9, s2;
	[dreg:$0xc] =	wrdreg s24;
	s9 =	sshrl.u32 s8, $0x2  }
0x1b: {  	s8 =	simm.s32 $0x19A00;
	s25 =	sadd.s32 s7, s11;
	s7 =	sadd.s32 s7, s20  }
0x1c: {  	[dreg:$0xb] =	wrdreg s23;
	s23 =	sadd.s32 s9, s2;
	s9 =	simm.s32 $0x19A50  }
0x1d: {  	s13 =	sshrl.u32 s25, $0x3;
	s7 =	sshrl.u32 s7, $0x3;
	s25 =	sshrl.u32 s21, $0x2  }
0x1e: {  	s21 =	sadd.s32 $0x43800, s22;
	s13 =	sadd.s32 s12, s13;
	s7 =	sadd.s32 s12, s7  }
0x1f: {  	s12 =	sadd.s32 $0x38400, s22;
	s5 =	sshrl.u32 s21, $0x2;
	[dreg:$0x8] =	wrdreg s13  }
0x20: {  	[dreg:$0xa] =	wrdreg s7;
	s13 =	sadd.s32 $0x1C800, s1;
	s7 =	sadd.s32 s26, s2  }
0x21: {  	s1 =	sadd.s32 s25, s2;
	s25 =	sadd.s32 s5, s2;
	s5 =	sadd.s32 s20, s2  }
0x22: {  	[dreg:$0xd] =	wrdreg s7;
	s7 =	sadd.s32 $0x21C00, s22;
	s22 =	sadd.s32 $0x4EC00, s22  }
0x23: {  	[dreg:$0xe] =	wrdreg s1;
	s1 =	sshrl.u32 s7, $0x2;
	s26 =	sshrl.u32 s22, $0x2  }
0x24: {  	s7 =	simm.s32 $0x1;
	s1 =	sadd.s32 s1, s2;
	s26 =	sadd.s32 s26, s2  }
0x25: {  	v0 =	vimm.f32 $0.0e+00;
	vm0 =	vmmov $0xf;
	v1 =	vimm.s32 $0x0;
	[dreg:$0x10] =	wrdreg s1;
	s1 =	sshrl.u32 s12, $0x2;
	s12 =	simm.s32 $0x0  }
0x26: {  	v2 =	vimm.s32 $0x1;
	v3 =	vimm.s32 $0x2;
	v4 =	vimm.s32 $0x3;
	s24 =	sadd.s32 s1, s2;
	s1 =	sadd.s32 s11, s2;
	s11 =	simm.s32 $0x19500  }
.LBB2_1:
0x27: {  	s17 =	simm.s32 $0x0;
	s18 =	simm.s32 $0x240  }
.LBB2_2:
0x28: {  	p0 =	sne.s32 s18, $0xB1C0;
	[tilespmem:s17+$0x16880] =	vst v0  }
0x29: {  	[tilespmem:s17+$0x16800] =	vst v0  }
0x2a: {  	[tilespmem:s17+$0x16810] =	vst v0  }
0x2b: {  	[tilespmem:s17+$0x16820] =	vst v0  }
.Ltmp0:
0x2c: {  	[tilespmem:s17+$0x16830] =	vst v0;
	(pc) =	sbr.rel @p0 .LBB2_2-.Ltmp0, $4  }
0x2d: {  	[tilespmem:s17+$0x16840] =	vst v0  }
0x2e: {  	[tilespmem:s17+$0x16850] =	vst v0  }
0x2f: {  	[tilespmem:s17+$0x16860] =	vst v0  }
0x30: {  	[tilespmem:s17+$0x16870] =	vst v0;
	s17 =	sshra.s32 s18, $0x2;
	s18 =	sadd.s32 $0x240, s18  }
0x31: {  	[tilespmem:s17+$0x16880] =	vst v0  }
0x32: {  	[tilespmem:s17+$0x16800] =	vst v0  }
0x33: {  	[tilespmem:s17+$0x16810] =	vst v0  }
0x34: {  	[tilespmem:s17+$0x16820] =	vst v0  }
0x35: {  	[tilespmem:s17+$0x16830] =	vst v0  }
0x36: {  	[tilespmem:s17+$0x16840] =	vst v0  }
0x37: {  	[tilespmem:s17+$0x16850] =	vst v0  }
0x38: {  	[tilespmem:s17+$0x16860] =	vst v0  }
0x39: {  	[tilespmem:s17+$0x16870] =	vst v0;
	s19 =	rddreg [dreg:$0xd]  }
0x3a: {  	[spmem:s19] =	stream.linear.scatter [tilespmem:s6], [sflag:$0x1], $0x2D00, $0x38;
	[tilespmem:$0x19AA0] =	vst v63  }
0x3b: {  	_ =	swait.ge [sflag:s7], $0x2D00  }
0x3c: {  	[sflag:s7] =	ssyncset.done $0x0  }
0x3d: {  	s20 =	rddreg [dreg:$0xe];
	[sflag:s7] =	ssyncadd.s32 $0xFFFFD300  }
0x3e: {  	[spmem:s20] =	stream.linear.scatter [tilespmem:s6], [sflag:$0x1], $0x2D00, $0x38;
	[tilespmem:$0x19AA0] =	vst v63  }
0x3f: {  	_ =	swait.ge [sflag:s7], $0x2D00  }
0x40: {  	[sflag:s7] =	ssyncset.done $0x0  }
0x41: {  	s21 =	rddreg [dreg:$0xf];
	[sflag:s7] =	ssyncadd.s32 $0xFFFFD300  }
0x42: {  	[spmem:s21] =	stream.linear.scatter [tilespmem:s6], [sflag:$0x1], $0x2D00, $0x38;
	[tilespmem:$0x19AA0] =	vst v63  }
0x43: {  	_ =	swait.ge [sflag:s7], $0x2D00  }
0x44: {  	[sflag:s7] =	ssyncset.done $0x0  }
0x45: {  	s22 =	rddreg [dreg:$0x10];
	[sflag:s7] =	ssyncadd.s32 $0xFFFFD300  }
0x46: {  	[spmem:s22] =	stream.linear.scatter [tilespmem:s6], [sflag:$0x1], $0x2D00, $0x38;
	[tilespmem:$0x19AA0] =	vst v63  }
0x47: {  	_ =	swait.ge [sflag:s7], $0x2D00  }
0x48: {  	[sflag:s7] =	ssyncset.done $0x0  }
0x49: {  	[sflag:s7] =	ssyncadd.s32 $0xFFFFD300  }
0x4a: {  	[spmem:s23] =	stream.linear.scatter [tilespmem:s6], [sflag:$0x1], $0x2D00, $0x38;
	[tilespmem:$0x19AA0] =	vst v63  }
0x4b: {  	_ =	swait.ge [sflag:s7], $0x2D00  }
0x4c: {  	[sflag:s7] =	ssyncset.done $0x0  }
0x4d: {  	[sflag:s7] =	ssyncadd.s32 $0xFFFFD300  }
0x4e: {  	[spmem:s24] =	stream.linear.scatter [tilespmem:s6], [sflag:$0x1], $0x2D00, $0x38;
	[tilespmem:$0x19AA0] =	vst v63  }
0x4f: {  	_ =	swait.ge [sflag:s7], $0x2D00  }
0x50: {  	[sflag:s7] =	ssyncset.done $0x0  }
0x51: {  	[sflag:s7] =	ssyncadd.s32 $0xFFFFD300  }
0x52: {  	[spmem:s25] =	stream.linear.scatter [tilespmem:s6], [sflag:$0x1], $0x2D00, $0x38;
	[tilespmem:$0x19AA0] =	vst v63  }
0x53: {  	_ =	swait.ge [sflag:s7], $0x2D00  }
0x54: {  	[sflag:s7] =	ssyncset.done $0x0  }
0x55: {  	[sflag:s7] =	ssyncadd.s32 $0xFFFFD300  }
0x56: {  	[spmem:s26] =	stream.linear.scatter [tilespmem:s6], [sflag:$0x1], $0x2D00, $0x38;
	[tilespmem:$0x19AA0] =	vst v63  }
0x57: {  	_ =	swait.ge [sflag:s7], $0x2D00  }
0x58: {  	[sflag:s7] =	ssyncset.done $0x0  }
0x59: {  	[sflag:s7] =	ssyncadd.s32 $0xFFFFD300  }
0x5a: {  	s17 =	simm.s32 $0x0;
	s18 =	simm.s32 $0x0;
	[bflag:$0x0] =	sbarrier.arrive $0xFFFF  }
.LBB2_4:
0x5b: {  	s19 =	smul.u32 $0x50, s18;
	_ =	sdelay $0x1  }
0x5c: {  	s19 =	sadd.s32 s19, s4  }
0x5d: {  	s19 =	sshrl.u32 s19, $0x3  }
0x5e: {  	s20 =	sadd.s32 s15, s19  }
0x5f: {  	[tilespmem:s8], [sflag:$0x1] =	stream.linear.gather [hbm4b:s20+s17], $0x50, $0x38;
	[tilespmem:$0x19AA0] =	vst v63  }
0x60: {  	_ =	swait.ge [sflag:s7], $0x50  }
0x61: {  	[sflag:s7] =	ssyncset.done $0x0  }
0x62: {  	s19 =	sadd.s32 s16, s19;
	[sflag:s7] =	ssyncadd.s32 $0xFFFFFFB0  }
0x63: {  	[tilespmem:s9], [sflag:$0x1] =	stream.linear.gather [hbm4b:s19+s17], $0x50, $0x38;
	[tilespmem:$0x19AA0] =	vst v63  }
0x64: {  	_ =	swait.ge [sflag:s7], $0x50  }
0x65: {  	[sflag:s7] =	ssyncset.done $0x0  }
0x66: {  	[sflag:s7] =	ssyncadd.s32 $0xFFFFFFB0  }
0x67: {  	[tilespmem:s6], [sflag:$0x1] =	stream.indirect.gather [hbm4b:s13+s10], $0x90, s8, s10, $0xb8;
	[tilespmem:$0x19AA0] =	vst v63  }
0x68: {  	_ =	swait.ge [sflag:s7], $0x2D00  }
0x69: {  	[sflag:s7] =	ssyncset.done $0x0  }
0x6a: {  	[sflag:s7] =	ssyncadd.s32 $0xFFFFD300  }
0x6b: {  	[tilespmem:s11], [sflag:$0x1] =	stream.indirect.gather [hbm4b:s14+s10], $0x10, s9, s10, $0xb8;
	[tilespmem:$0x19AA0] =	vst v63  }
0x6c: {  	_ =	swait.ge [sflag:s7], $0x500  }
0x6d: {  	[sflag:s7] =	ssyncset.done $0x0  }
0x6e: {  	s19 =	simm.s32 $0x16840;
	[sflag:s7] =	ssyncadd.s32 $0xFFFFFB00  }
0x6f: {  	s22 =	simm.s32 $0x0;
	s21 =	simm.s32 $0x40;
	s20 =	simm.s32 $0x16840;
	v5 =	vld [tilespmem:s19+$0x40]  }
.LBB2_5:
0x70: {  	p0 =	sne.s32 s21, $0x13C0;
	v6 =	vld [tilespmem:s22+$0x19500];
	_ =	sdelay $0x4  }
0x71: {  	v5 =	vadd.f32 v6, v5;
	_ =	sdelay $0x1  }
0x72: {  	v6 =	vmul.f32 $2.000000030e-01, v5  }
0x73: {  	vm1 =	vgt.f32 v5, $0.0e+00  }
0x74: {  	v5 =	vsel vm1, v5, v6  }
0x75: {  	v5 =	vmul.f32 $1.442695020e+00, v5;
	_ =	sdelay $0x1  }
0x76: {  	(erf) = vpow2.f32 v5;
	_ =	sdelay $0x3  }
0x77: {  	v5 =	vld [tilespmem:s19+$0xFFFFFFF0]  }
0x78: {  	v6 =	vld [tilespmem:s19+$0x30]  }
0x79: {  	v7 =	vld [tilespmem:s19+$0x20]  }
0x7a: {  	v8 =	vld [tilespmem:s19+$0x10]  }
0x7b: {  	v9 =	vld [tilespmem:s19+$0x0]  }
0x7c: {  	v10 =	vld [tilespmem:s19+$0xFFFFFFE0];
	v11 =	vpop (erf)  }
0x7d: {  	v11 =	vnsel vm0, $0x0, v11;
	v12 =	vld [tilespmem:s19+$0xFFFFFFD0]  }
0x7e: {  	[tilespmem:s19+$0x40] =	vst v11;
	v13 =	vld [tilespmem:s19+$0xFFFFFFC0];
	v14 =	vperm.xlane v11, v3;
	v15 =	vperm.xlane v11, v4  }
0x7f: {  	v16 =	vperm.xlane v11, v1;
	v11 =	vperm.xlane v11, v2  }
0x80: {  	v7 =	vmul.f32 v7, v15;
	v6 =	vmul.f32 v6, v15  }
0x81: {  	v9 =	vmul.f32 v9, v14;
	v8 =	vmul.f32 v8, v14  }
0x82: {  	v5 =	vmul.f32 v5, v11;
	v10 =	vmul.f32 v10, v11;
	[tilespmem:s19+$0x30] =	vst v6  }
0x83: {  	v11 =	vmul.f32 v12, v16;
	v6 =	vmul.f32 v13, v16;
	[tilespmem:s19+$0x20] =	vst v7  }
0x84: {  	[tilespmem:s19+$0x10] =	vst v8  }
.Ltmp1:
0x85: {  	[tilespmem:s19+$0x0] =	vst v9;
	(pc) =	sbr.rel @p0 .LBB2_5-.Ltmp1, $4  }
0x86: {  	[tilespmem:s19+$0xFFFFFFF0] =	vst v5  }
0x87: {  	[tilespmem:s19+$0xFFFFFFE0] =	vst v10  }
0x88: {  	s19 =	sadd.s32 $0x90, s19;
	[tilespmem:s20+$0xFFFFFFD0] =	vst v11  }
0x89: {  	s22 =	sshra.s32 s21, $0x2;
	s21 =	sadd.s32 $0x40, s21;
	v5 =	vld [tilespmem:s19+$0x40];
	[tilespmem:s20+$0xFFFFFFC0] =	vst v6;
	s20 =	smov.u32 s19  }
0x8a: {  	v6 =	vld [tilespmem:s22+$0x19500];
	_ =	sdelay $0x4  }
0x8b: {  	v5 =	vadd.f32 v6, v5;
	_ =	sdelay $0x1  }
0x8c: {  	v6 =	vmul.f32 $2.000000030e-01, v5  }
0x8d: {  	vm1 =	vgt.f32 v5, $0.0e+00  }
0x8e: {  	v5 =	vsel vm1, v5, v6  }
0x8f: {  	v5 =	vmul.f32 $1.442695020e+00, v5;
	_ =	sdelay $0x1  }
0x90: {  	(erf) = vpow2.f32 v5;
	_ =	sdelay $0x7  }
0x91: {  	v5 =	vld [tilespmem:s19+$0x30]  }
0x92: {  	v6 =	vld [tilespmem:s19+$0x20];
	v7 =	vpop (erf)  }
0x93: {  	v8 =	vld [tilespmem:s19+$0x10];
	v7 =	vnsel vm0, $0x0, v7  }
0x94: {  	v12 =	vld [tilespmem:s19+$0xFFFFFFE0];
	v10 =	vperm.xlane v7, v4  }
0x95: {  	v9 =	vld [tilespmem:s19+$0x0]  }
0x96: {  	v11 =	vld [tilespmem:s19+$0xFFFFFFF0];
	v13 =	vperm.xlane v7, v3;
	v5 =	vmul.f32 v5, v10  }
0x97: {  	v14 =	vld [tilespmem:s19+$0xFFFFFFD0];
	[tilespmem:s19+$0x40] =	vst v7;
	v15 =	vperm.xlane v7, v2;
	v6 =	vmul.f32 v6, v10  }
0x98: {  	v62 =	vld [tilespmem:s19+$0xFFFFFFC0];
	v8 =	vmul.f32 v8, v13;
	[tilespmem:s19+$0x30] =	vst v5  }
0x99: {  	v63 =	vmul.f32 v12, v15;
	[tilespmem:s19+$0x20] =	vst v6  }
0x9a: {  	v5 =	vmul.f32 v9, v13;
	v6 =	vperm.xlane v7, v1;
	[tilespmem:s19+$0x10] =	vst v8  }
0x9b: {  	v7 =	vmul.f32 v11, v15;
	[tilespmem:s19+$0xFFFFFFE0] =	vst v63  }
0x9c: {  	[tilespmem:s19+$0x0] =	vst v5;
	v5 =	vmul.f32 v14, v6  }
0x9d: {  	s18 =	sadd.s32 $0x1, s18;
	[tilespmem:s19+$0xFFFFFFF0] =	vst v7;
	v6 =	vmul.f32 v62, v6  }
0x9e: {  	p0 =	sne.s32 s18, $0x7D;
	[tilespmem:s20+$0xFFFFFFD0] =	vst v5  }
.Ltmp2:
0x9f: {  	[tilespmem:s20+$0xFFFFFFC0] =	vst v6;
	(pc) =	sbr.rel @p0 .LBB2_4-.Ltmp2, $4  }
0xa0: {  	[spmem:s2] =	stream.indirect.scatter.add.f32 [tilespmem:s6], [sflag:$0x1], $0x90, s9, s10, $0xb8;
	[tilespmem:$0x19AA0] =	vst v63  }
0xa1: {  	_ =	swait.ge [sflag:s7], $0x2D00  }
0xa2: {  	[sflag:s7] =	ssyncset.done $0x0  }
0xa3: {  	[sflag:s7] =	ssyncadd.s32 $0xFFFFD300  }
0xa4: {  	[bflag:$0x0] =	sbarrier.arrive $0xFFFF  }
0xa5: {  	s17 =	rddreg [dreg:$0xb]  }
0xa6: {  	[tilespmem:s6], [sflag:$0x1] =	stream.linear.gather [spmem:s17], $0x2D00, $0x38;
	[tilespmem:$0x19AA0] =	vst v63  }
0xa7: {  	_ =	swait.ge [sflag:s7], $0x2D00  }
0xa8: {  	[sflag:s7] =	ssyncset.done $0x0  }
0xa9: {  	s19 =	rddreg [dreg:$0x3];
	[sflag:s7] =	ssyncadd.s32 $0xFFFFD300  }
0xaa: {  	[hbm4b:s19+s3] =	stream.linear.scatter [tilespmem:s6], [sflag:$0x1], $0x2D00, $0x38;
	[tilespmem:$0x19AA0] =	vst v63  }
0xab: {  	_ =	swait.ge [sflag:s7], $0x2D00  }
0xac: {  	[sflag:s7] =	ssyncset.done $0x0  }
0xad: {  	[sflag:s7] =	ssyncadd.s32 $0xFFFFD300  }
0xae: {  	[tilespmem:s6], [sflag:$0x1] =	stream.linear.gather [spmem:s28], $0x2D00, $0x38;
	[tilespmem:$0x19AA0] =	vst v63  }
0xaf: {  	_ =	swait.ge [sflag:s7], $0x2D00  }
0xb0: {  	[sflag:s7] =	ssyncset.done $0x0  }
0xb1: {  	s20 =	rddreg [dreg:$0x4];
	[sflag:s7] =	ssyncadd.s32 $0xFFFFD300  }
0xb2: {  	[hbm4b:s20+s3] =	stream.linear.scatter [tilespmem:s6], [sflag:$0x1], $0x2D00, $0x38;
	[tilespmem:$0x19AA0] =	vst v63  }
0xb3: {  	_ =	swait.ge [sflag:s7], $0x2D00  }
0xb4: {  	[sflag:s7] =	ssyncset.done $0x0  }
0xb5: {  	[sflag:s7] =	ssyncadd.s32 $0xFFFFD300  }
0xb6: {  	[tilespmem:s6], [sflag:$0x1] =	stream.linear.gather [spmem:s29], $0x2D00, $0x38;
	[tilespmem:$0x19AA0] =	vst v63  }
0xb7: {  	_ =	swait.ge [sflag:s7], $0x2D00  }
0xb8: {  	[sflag:s7] =	ssyncset.done $0x0  }
0xb9: {  	s21 =	rddreg [dreg:$0x5];
	[sflag:s7] =	ssyncadd.s32 $0xFFFFD300  }
0xba: {  	[hbm4b:s21+s3] =	stream.linear.scatter [tilespmem:s6], [sflag:$0x1], $0x2D00, $0x38;
	[tilespmem:$0x19AA0] =	vst v63  }
0xbb: {  	_ =	swait.ge [sflag:s7], $0x2D00  }
0xbc: {  	[sflag:s7] =	ssyncset.done $0x0  }
0xbd: {  	[sflag:s7] =	ssyncadd.s32 $0xFFFFD300  }
0xbe: {  	[tilespmem:s6], [sflag:$0x1] =	stream.linear.gather [spmem:s30], $0x2D00, $0x38;
	[tilespmem:$0x19AA0] =	vst v63  }
0xbf: {  	_ =	swait.ge [sflag:s7], $0x2D00  }
0xc0: {  	[sflag:s7] =	ssyncset.done $0x0  }
0xc1: {  	s22 =	rddreg [dreg:$0x6];
	[sflag:s7] =	ssyncadd.s32 $0xFFFFD300  }
0xc2: {  	[hbm4b:s22+s3] =	stream.linear.scatter [tilespmem:s6], [sflag:$0x1], $0x2D00, $0x38;
	[tilespmem:$0x19AA0] =	vst v63  }
0xc3: {  	_ =	swait.ge [sflag:s7], $0x2D00  }
0xc4: {  	[sflag:s7] =	ssyncset.done $0x0  }
0xc5: {  	[sflag:s7] =	ssyncadd.s32 $0xFFFFD300  }
0xc6: {  	[tilespmem:s6], [sflag:$0x1] =	stream.linear.gather [spmem:s31], $0x2D00, $0x38;
	[tilespmem:$0x19AA0] =	vst v63  }
0xc7: {  	_ =	swait.ge [sflag:s7], $0x2D00  }
0xc8: {  	[sflag:s7] =	ssyncset.done $0x0  }
0xc9: {  	s18 =	rddreg [dreg:$0x7];
	[sflag:s7] =	ssyncadd.s32 $0xFFFFD300  }
0xca: {  	[hbm4b:s18+s3] =	stream.linear.scatter [tilespmem:s6], [sflag:$0x1], $0x2D00, $0x38;
	[tilespmem:$0x19AA0] =	vst v63  }
0xcb: {  	_ =	swait.ge [sflag:s7], $0x2D00  }
0xcc: {  	[sflag:s7] =	ssyncset.done $0x0  }
0xcd: {  	[sflag:s7] =	ssyncadd.s32 $0xFFFFD300  }
0xce: {  	[tilespmem:s6], [sflag:$0x1] =	stream.linear.gather [spmem:s1], $0x2D00, $0x38;
	[tilespmem:$0x19AA0] =	vst v63  }
0xcf: {  	_ =	swait.ge [sflag:s7], $0x2D00  }
0xd0: {  	[sflag:s7] =	ssyncset.done $0x0  }
0xd1: {  	s19 =	rddreg [dreg:$0x8];
	[sflag:s7] =	ssyncadd.s32 $0xFFFFD300  }
0xd2: {  	[hbm4b:s19+s3] =	stream.linear.scatter [tilespmem:s6], [sflag:$0x1], $0x2D00, $0x38;
	[tilespmem:$0x19AA0] =	vst v63  }
0xd3: {  	_ =	swait.ge [sflag:s7], $0x2D00  }
0xd4: {  	[sflag:s7] =	ssyncset.done $0x0  }
0xd5: {  	[sflag:s7] =	ssyncadd.s32 $0xFFFFD300  }
0xd6: {  	[tilespmem:s6], [sflag:$0x1] =	stream.linear.gather [spmem:s0], $0x2D00, $0x38;
	[tilespmem:$0x19AA0] =	vst v63  }
0xd7: {  	_ =	swait.ge [sflag:s7], $0x2D00  }
0xd8: {  	[sflag:s7] =	ssyncset.done $0x0  }
0xd9: {  	s20 =	rddreg [dreg:$0x9];
	[sflag:s7] =	ssyncadd.s32 $0xFFFFD300  }
0xda: {  	[hbm4b:s20+s3] =	stream.linear.scatter [tilespmem:s6], [sflag:$0x1], $0x2D00, $0x38;
	[tilespmem:$0x19AA0] =	vst v63  }
0xdb: {  	_ =	swait.ge [sflag:s7], $0x2D00  }
0xdc: {  	[sflag:s7] =	ssyncset.done $0x0  }
0xdd: {  	[sflag:s7] =	ssyncadd.s32 $0xFFFFD300  }
0xde: {  	[tilespmem:s6], [sflag:$0x1] =	stream.linear.gather [spmem:s5], $0x2D00, $0x38;
	[tilespmem:$0x19AA0] =	vst v63  }
0xdf: {  	_ =	swait.ge [sflag:s7], $0x2D00  }
0xe0: {  	[sflag:s7] =	ssyncset.done $0x0  }
0xe1: {  	s21 =	rddreg [dreg:$0xa];
	[sflag:s7] =	ssyncadd.s32 $0xFFFFD300  }
0xe2: {  	[hbm4b:s21+s3] =	stream.linear.scatter [tilespmem:s6], [sflag:$0x1], $0x2D00, $0x38;
	[tilespmem:$0x19AA0] =	vst v63  }
0xe3: {  	_ =	swait.ge [sflag:s7], $0x2D00  }
0xe4: {  	s12 =	sadd.s32 $0x1, s12;
	s22 =	rddreg [dreg:$0xc]  }
0xe5: {  	p0 =	sne.s32 s12, s22  }
.Ltmp3:
0xe6: {  	_ = 	snop;
	(pc) =	sbr.rel @p0 .LBB2_1-.Ltmp3, $3  }
0xe7: {  	_ =	sdelay $0x1  }
0xe8: {  	[sflag:s7] =	ssyncset.done $0x0  }
0xe9: {  	[sflag:s7] =	ssyncadd.s32 $0xFFFFD300  }
0xea: {  	_ =	sfence.sel $0x180000  }
0xeb: {  	[bflag:$0x0] =	sbarrier.arrive $0xFFFF  }
0xec: {  	_ =	strace $0x9000004A  }
0xed: {  	s0 =	stileid.u32;
	[bflag:$0x2] =	sbarrier.arrive $0xFFFF  }
0xee: {  	p0 =	sne.s32 s0, $0x0;
	s0 =	rddreg [dreg:$0x2]  }
0xef: {  	s0 =	sadd.s32 @!p0 $0x100000, s0  }
0xf0: {  	[sflag:s0] =	ssyncadd.tile.s32 @!p0 $0x1;
	_ =	shalt  }
.Lfunc_end2:
_tile_overlayer_lowered:
.L_overlay_start_2:
0xf1: {  	(tag) =	ssettag $0x2  }
0xf2: {  	s0 =	rddreg [dreg:$0x0];
	s2 =	stileid.u32  }
0xf3: {  	s1 =	rddreg [dreg:$0x1];
	p0 =	sne.s32 s2, $0x0  }
0xf4: {  	s3 =	rddreg [dreg:$0x2];
	[bflag:$0x3] =	sbarrier.arrive $0xFFFF;
	s2 =	simm.s32 @!p0 $0x1C01  }
0xf5: {  	[timem:s3], [sflag:s2] =	dma.local @!p0 [hbm:s0], s1  }
0xf6: {  	s0 =	simm.s32 @!p0 $0x1  }
0xf7: {  	_ =	swait.ge @!p0 [sflag:s0], s1  }
0xf8: {  	s1 =	ssub.s32 @!p0 $0x0, s1;
	[sflag:s0] =	ssyncset.done @!p0 $0x0  }
0xf9: {  	[sflag:s0] =	ssyncadd.s32 @!p0 s1  }
0xfa: {  	[bflag:$0x3] =	sbarrier.arrive $0xFFFF  }
0xfb: {  	_ =	shalt  }

// kernel: kernel.7.cloned.1.call-start
scs
__scs_entry_jumppad:
0x0: {  	(pc) =	sbr.rel $0x88, $3  }
0x1: {  	(tag) =	ssettag $0x0;
	lr =	simm.s32 $0x1  }
0x2: {  	[smem:$0x3F81] =	sst lr;
	_ =	strace $0xD0000000  }
0x3: {  	_ = 	snop  }
0x4: {  	_ = 	snop  }
0x5: {  	_ = 	snop  }
0x6: {  	_ = 	snop  }
0x7: {  	_ = 	snop  }
__scs_overlays_trampoline_lowered:
0x8: {  	[smem:$0x3F90] =	sst s0  }
0x9: {  	[smem:$0x3F91] =	sst s1  }
0xa: {  	[smem:$0x3F92] =	sst s2  }
0xb: {  	[smem:$0x3F93] =	sst s3  }
0xc: {  	[smem:$0x3F94] =	sst s4  }
0xd: {  	[smem:$0x3F95] =	sst s5  }
0xe: {  	[smem:$0x3F96] =	sst s6  }
0xf: {  	[smem:$0x3F97] =	sst s7  }
0x10: {  	[smem:$0x3F98] =	sst s8  }
0x11: {  	[smem:$0x3F99] =	sst s9;
	s0 =	simm.s32 @!p0 $0x0  }
0x12: {  	s1 =	sld [smem:$0x3F7F];
	s0 =	simm.s32 @p0 $0x1  }
0x13: {  	[smem:$0x3F9A] =	sst s0;
	s0 =	simm.s32 @!p1 $0x0  }
0x14: {  	s2 =	sld [smem:$0x3F7E];
	s0 =	simm.s32 @p1 $0x1  }
0x15: {  	[smem:$0x3F9B] =	sst s0;
	s0 =	simm.s32 @!p2 $0x0  }
0x16: {  	s3 =	sld [smem:$0x3FDB];
	s0 =	simm.s32 @p2 $0x1  }
0x17: {  	s4 =	simm.s32 $0x1BF5;
	[smem:$0x3F9D] =	sst s0  }
0x18: {  	s0 =	sld [smem:$0x3F80];
	_ =	swait.ge [sflag:s4], $0x0  }
0x19: {  	s7 =	sld [smem:$0x3F81]  }
0x1a: {  	s8 =	sadd.s32 $0xFFFFE003, lr  }
0x1b: {  	s9 =	sadd.s32 $0xFFFFFEF7, lr;
	s5 =	simm.s32 $0xFFFFFFFF;
	p2 =	slt.u32 s8, $0xFFFFF086  }
0x1c: {  	p1 =	slt.u32 s9, $0xF7A;
	s5 =	simm.s32 @!p2 $0x0  }
0x1d: {  	s5 =	simm.s32 @p1 $0x1;
	p0 =	seq.s32 s7, s2  }
0x1e: {  	s7 =	smul.u32 @!p0 $0xF7A, s2;
	p2 =	seq.s32 @!p0 s5, $0x0  }
0x1f: {  	s9 =	smul.u32 $0xF7A, s1;
	s8 =	simm.s32 @!p0 $0x1BF5;
	p2 =	por !p2, p0  }
0x20: {  	[sflag:s8] =	ssyncset.s32 @!p0 $0xFFFFF086;
	s6 =	sadd.s32 @!p0 s3, s7;
	s7 =	simm.s32 @!p0 $0x108  }
0x21: {  	s3 =	sadd.s32 s3, s9;
	s6 =	sadd.s32 @!p0 $0x88, s6;
	s7 =	simm.s32 @p2 $0x1082  }
0x22: {  	[simem:s7], [sflag:s8] =	dma.local @!p0 [hbm:s6], $0xF7A  }
0x23: {  	s9 =	sor.u32 $0xD0000000, s2;
	s6 =	simm.s32 $0x108;
	_ =	swait.ge @!p0 [sflag:s8], $0x0  }
0x24: {  	s3 =	sadd.s32 $0x88, s3;
	s6 =	simm.s32 @!p1 $0x1082;
	[sflag:s4] =	ssyncset.s32 $0xFFFFF086  }
0x25: {  	[simem:s6], [sflag:s4] =	dma.local [hbm:s3], $0xF7A  }
0x26: {  	[smem:$0x3F81] =	sst s1;
	(tag) =	ssettag s2;
	_ =	strace s9  }
0x27: {  	s1 =	sld [smem:$0x3F91]  }
0x28: {  	s2 =	sld [smem:$0x3F92]  }
0x29: {  	s4 =	sld [smem:$0x3F94]  }
0x2a: {  	p0 =	seq.s32 s5, $0x0;
	s5 =	sld [smem:$0x3F95]  }
0x2b: {  	s6 =	sld [smem:$0x3F96]  }
0x2c: {  	s7 =	sld [smem:$0x3F97]  }
0x2d: {  	s3 =	simm.s32 $0x108;
	s8 =	sld [smem:$0x3F98]  }
0x2e: {  	s3 =	simm.s32 @!p0 $0x1082;
	s9 =	sld [smem:$0x3F99]  }
0x2f: {  	lr =	sadd.s32 s0, s3;
	s0 =	sld [smem:$0x3F90]  }
0x30: {  	s3 =	sld [smem:$0x3F93]  }
0x31: {  	[smem:$0x3F9C] =	sst s10  }
0x32: {  	s10 =	sld [smem:$0x3F9A];
	_ =	sdelay $0x3  }
0x33: {  	p0 =	seq.s32 s10, $0x1;
	s10 =	sld [smem:$0x3F9C];
	_ =	sdelay $0x3  }
0x34: {  	[smem:$0x3F9C] =	sst s10  }
0x35: {  	s10 =	sld [smem:$0x3F9B];
	_ =	sdelay $0x3  }
0x36: {  	p1 =	seq.s32 s10, $0x1;
	s10 =	sld [smem:$0x3F9C];
	_ =	sdelay $0x3  }
0x37: {  	[smem:$0x3F9C] =	sst s10  }
0x38: {  	s10 =	sld [smem:$0x3F9D]  }
0x39: {  	_ = 	snop;
	(pc) =	sbr.ind lr, $3  }
0x3a: {  	_ = 	snop  }
0x3b: {  	_ = 	snop  }
0x3c: {  	p2 =	seq.s32 s10, $0x1;
	s10 =	sld [smem:$0x3F9C]  }
0x3d: {  	_ =	shalt  }
0x3e: {  	_ =	shalt  }
0x3f: {  	_ =	shalt  }
0x40: {  	_ =	shalt  }
0x41: {  	_ =	shalt  }
0x42: {  	_ =	shalt  }
0x43: {  	_ =	shalt  }
0x44: {  	_ =	shalt  }
0x45: {  	_ =	shalt  }
0x46: {  	_ =	shalt  }
0x47: {  	_ =	shalt  }
0x48: {  	_ =	shalt  }
0x49: {  	_ =	shalt  }
0x4a: {  	_ =	shalt  }
0x4b: {  	_ =	shalt  }
0x4c: {  	_ =	shalt  }
0x4d: {  	_ =	shalt  }
0x4e: {  	_ =	shalt  }
0x4f: {  	_ =	shalt  }
0x50: {  	_ =	shalt  }
0x51: {  	_ =	shalt  }
0x52: {  	_ =	shalt  }
0x53: {  	_ =	shalt  }
0x54: {  	_ =	shalt  }
0x55: {  	_ =	shalt  }
0x56: {  	_ =	shalt  }
0x57: {  	_ =	shalt  }
0x58: {  	_ =	shalt  }
0x59: {  	_ =	shalt  }
0x5a: {  	_ =	shalt  }
0x5b: {  	_ =	shalt  }
0x5c: {  	_ =	shalt  }
0x5d: {  	_ =	shalt  }
0x5e: {  	_ =	shalt  }
0x5f: {  	_ =	shalt  }
0x60: {  	_ =	shalt  }
0x61: {  	_ =	shalt  }
0x62: {  	_ =	shalt  }
0x63: {  	_ =	shalt  }
0x64: {  	_ =	shalt  }
0x65: {  	_ =	shalt  }
0x66: {  	_ =	shalt  }
0x67: {  	_ =	shalt  }
0x68: {  	_ =	shalt  }
0x69: {  	_ =	shalt  }
0x6a: {  	_ =	shalt  }
0x6b: {  	_ =	shalt  }
0x6c: {  	_ =	shalt  }
0x6d: {  	_ =	shalt  }
0x6e: {  	_ =	shalt  }
0x6f: {  	_ =	shalt  }
0x70: {  	_ =	shalt  }
0x71: {  	_ =	shalt  }
0x72: {  	_ =	shalt  }
0x73: {  	_ =	shalt  }
0x74: {  	_ =	shalt  }
0x75: {  	_ =	shalt  }
0x76: {  	_ =	shalt  }
0x77: {  	_ =	shalt  }
0x78: {  	_ =	shalt  }
0x79: {  	_ =	shalt  }
0x7a: {  	_ =	shalt  }
0x7b: {  	_ =	shalt  }
0x7c: {  	_ =	shalt  }
0x7d: {  	_ =	shalt  }
0x7e: {  	_ =	shalt  }
0x7f: {  	_ =	shalt  }
0x80: {  	_ =	shalt  }
0x81: {  	_ =	shalt  }
0x82: {  	_ =	shalt  }
0x83: {  	_ =	shalt  }
0x84: {  	_ =	shalt  }
0x85: {  	_ =	shalt  }
0x86: {  	_ =	shalt  }
0x87: {  	_ =	shalt  }
.Lfunc_end0:
.L_simem_size_0:
called_computation_lowered:
.L_overlay_start_0:
0x88: {  	s2 =	sld [smem:$0x3FD9]  }
0x89: {  	s3 =	sld [smem:$0x3FFE];
	_ =	sdelay $0x1  }
0x8a: {  	s1 =	srdreg.scid  }
0x8b: {  	s0 =	sand.u32 $0x1, s1  }
0x8c: {  	s16 =	sshll.u32 s0, $0xA;
	s2 =	sadd.s32 s3, s2  }
0x8d: {  	s2 =	sadd.s32 s2, s16  }
0x8e: {  	[smem:$0x3FA8] =	sst s2  }
0x8f: {  	_ = 	snop  }
0x90: {  	(tm) =	ssettm $0x1  }
0x91: {  	s17 =	sld [smem:$0x3FFB];
	_ =	sdelay $0x3  }
0x92: {  	_ =	strace s17  }
0x93: {  	s2 =	sld [smem:$0x3FFC];
	_ =	sdelay $0x3  }
0x94: {  	_ =	strace s2  }
0x95: {  	s2 =	sld [smem:$0x3FFD];
	_ =	sdelay $0x3  }
0x96: {  	_ =	strace s2  }
0x97: {  	_ =	strace $0x8FFFFFFF  }
0x98: {  	s18 =	sld [smem:$0x3FDB];
	_ =	sdelay $0x1  }
0x99: {  	s19 =	simm.s32 $_scs_section_size  }
0x9a: {  	s4 =	simm.s32 $_size__tile_overlayer_lowered;
	s5 =	simm.s32 $_tile_overlayer_lowered  }
0x9b: {  	s22 =	simm.s32 $0x1BFF;
	s21 =	sshll.u32 s5, $0x1;
	s2 =	sadd.s32 s19, s18  }
0x9c: {  	s6 =	simm.s32 $0x0;
	s20 =	sshll.u32 s4, $0x1;
	s4 =	sadd.s32 s21, s2  }
0x9d: {  	[timem:s6], [sflag:s22] =	dma.local [hbm:s4], s20  }
0x9e: {  	_ =	swait.ge [sflag:s22], s20  }
0x9f: {  	s3 =	ssub.s32 $0x0, s20;
	[sflag:s22] =	ssyncset.done $0x0  }
0xa0: {  	[sflag:s22] =	ssyncadd.s32 s3;
	_ =	sdelay $0x1  }
0xa1: {  	s23 =	simm.s32 $0x1B8B  }
0xa2: {  	_ =	swait.ge [sflag:s23], $0x1  }
0xa3: {  	[sflag:s23] =	ssyncset.done $0x0  }
0xa4: {  	s25 =	simm.s32 $0x1B8E;
	s24 =	sld [smem:$0x3FFE];
	[sflag:s23] =	ssyncadd.s32 $0xFFFFFFFF  }
0xa5: {  	s26 =	simm.s32 $execute0_lowered;
	[smem:$0x3FD2] =	sst s25  }
0xa6: {  	s4 =	sshll.u32 s26, $0x1;
	_ =	strace $0x80000046;
	[dreg:$0x1] =	wrdreg $0xFFFFFFFF  }
0xa7: {  	s28 =	simm.s32 $_size_execute0_lowered;
	s2 =	sadd.s32 s2, s4;
	[dreg:$0x0] =	wrdreg $0x0  }
0xa8: {  	s4 =	sshll.u32 s28, $0x1;
	[dreg:$0x2] =	wrdreg s2  }
0xa9: {  	[dreg:$0x3] =	wrdreg s4  }
0xaa: {  	[dreg:$0x4] =	wrdreg $0xC0  }
0xab: {  	_ =	task [dreg:s6], $0x5FFFF  }
0xac: {  	[dreg:$0x1] =	wrdreg $0xFFFFFFFF  }
0xad: {  	[dreg:$0x0] =	wrdreg $0x60  }
0xae: {  	[dreg:$0x2] =	wrdreg s24  }
0xaf: {  	[dreg:$0x3] =	wrdreg $0x0  }
0xb0: {  	[dreg:$0x4] =	wrdreg $0x9  }
0xb1: {  	_ =	task.clear_ibuf [dreg:s6], $0x5FFFF;
	_ =	strace $0x90000046  }
0xb2: {  	s29 =	simm.s32 $0x9;
	_ =	strace $0x80000048  }
0xb3: {  	_ =	swait.ge [sflag:s29], $0x1  }
0xb4: {  	[sflag:s29] =	ssyncadd.s32 $0xFFFFFFFF  }
0xb5: {  	_ =	strace $0x90000048  }
0xb6: {  	_ =	sfence  }
0xb7: {  	s30 =	sld [smem:$0x0];
	_ =	sdelay $0x2  }
0xb8: {  	s31 =	sshll.u32 s1, $0xD;
	s1 =	sshrl.u32 s1, $0x2  }
0xb9: {  	s3 =	sand.u32 $0x4000, s31;
	s1 =	sadd.s32 s1, s30  }
0xba: {  	s0 =	sor.u32 s3, s0;
	s1 =	sshll.u32 s1, $0x11  }
0xbb: {  	s0 =	sor.u32 s1, s0  }
0xbc: {  	s0 =	sadd.s32 $0x8F2B, s0  }
0xbd: {  	[sflag:s0] =	ssyncadd.remote.s32 $0x1  }
0xbe: {  	_ =	sfence.sel $0xFFFF  }
0xbf: {  	[dreg:$0x0] =	wrdreg $0xFFFFFFFF;
	(pc) =	sbr.abs _section_cstart, $3  }
0xc0: {  	[dreg:$0x1] =	wrdreg $0xFFFFFFFF  }
0xc1: {  	_ =	task.clear_ibuf [dreg:s6], $0x2FFFF;
	_ =	strace $0x9FFFFFFF  }
0xc2: {  	(tm) =	ssettm $0x7FFFFFFF  }
0xc3: {  	_ =	shalt  }
tec
execute0_lowered:
.L_overlay_start_1:
0x0: {  	(tag) =	ssettag $0x1  }
0x1: {  	s16 =	stileid.u32  }
0x2: {  	s5 =	smul.u32 $0x280, s16  }
0x3: {  	s0 =	srdreg.scid;
	s6 =	smul.u32 $0x2710, s16  }
0x4: {  	s1 =	rddreg [dreg:$0x0];
	s0 =	sand.u32 $0x1, s0;
	s9 =	smul.u32 $0x16800, s16  }
0x5: {  	s2 =	rddreg [dreg:$0x1];
	s3 =	simm.s32 $0x0;
	s4 =	smul.u32 $0x27100, s0  }
0x6: {  	[smem:$0x7FF] =	sst s3;
	s12 =	sadd.s32 $0x7DE00, s1;
	s7 =	smul.u32 $0x168000, s0  }
0x7: {  	s8 =	ssub.s32 $0x2, s0;
	_ =	strace $0x80000047;
	s10 =	sor.u32 $0x50, s5  }
0x8: {  	s11 =	sshrl.u32 s8, $0x1;
	s5 =	sadd.s32 $0xA0, s5;
	s18 =	sadd.s32 $0xB400, s9  }
0x9: {  	s0 =	smul.u32 $0x90, s10;
	s8 =	ssub.s32 s8, s11;
	s4 =	sadd.s32 s6, s4  }
0xa: {  	s19 =	sadd.s32 s7, s9;
	s17 =	smul.u32 $0x90, s5;
	s14 =	sadd.s32 s7, s18  }
0xb: {  	s5 =	smul.u32 $0x240, s5;
	s31 =	sadd.s32 s18, s2;
	s6 =	sshrl.u32 s19, $0x3  }
0xc: {  	s24 =	sshrl.u32 s14, $0x3;
	s19 =	sadd.s32 $0x10E00, s9;
	s20 =	sadd.s32 s7, s0  }
0xd: {  	s6 =	sadd.s32 s12, s6;
	s22 =	sadd.s32 s7, s17;
	s26 =	sadd.s32 s7, s19  }
0xe: {  	s5 =	sshrl.u32 s5, $0x2;
	s28 =	sadd.s32 s0, s2;
	s29 =	sadd.s32 s17, s2  }
0xf: {  	s0 =	sadd.s32 s19, s2;
	s11 =	sshrl.u32 s20, $0x3;
	[dreg:$0x3] =	wrdreg s6  }
0x10: {  	s6 =	sadd.s32 $0x8700, s9;
	s20 =	sadd.s32 $0x13B00, s9;
	s14 =	sshrl.u32 s26, $0x3  }
0x11: {  	s5 =	sadd.s32 s5, s2;
	s21 =	sadd.s32 s12, s11;
	s13 =	sadd.s32 s7, s6  }
0x12: {  	s11 =	sshrl.u32 s22, $0x3;
	s15 =	sadd.s32 s12, s14;
	s14 =	sadd.s32 $0x3C00, s1  }
0x13: {  	s22 =	smul.u32 $0x5A000, s16;
	s16 =	sadd.s32 $0x8C00, s1;
	[dreg:$0xf] =	wrdreg s5  }
0x14: {  	s30 =	sadd.s32 s6, s2;
	s6 =	simm.s32 $0x16800;
	[dreg:$0x4] =	wrdreg s21  }
0x15: {  	s13 =	sshrl.u32 s13, $0x3;
	s11 =	sadd.s32 s12, s11;
	[dreg:$0x9] =	wrdreg s15  }
0x16: {  	s21 =	smul.u32 $0x240, s10;
	s15 =	sadd.s32 $0x12A00, s1;
	s10 =	simm.s32 $0x50  }
0x17: {  	[dreg:$0x5] =	wrdreg s11;
	s23 =	sadd.s32 s12, s13;
	s11 =	sadd.s32 s12, s24  }
0x18: {  	s24 =	smax.u32 s8, $0x1;
	s26 =	sshrl.u32 s22, $0x2;
	[dreg:$0x6] =	wrdreg s23  }
0x19: {  	s8 =	sadd.s32 $0x2D000, s22;
	[dreg:$0x7] =	wrdreg s11;
	s11 =	sadd.s32 $0xE100, s9  }
0x1a: {  	s23 =	sadd.s32 s9, s2;
	[dreg:$0xc] =	wrdreg s24;
	s9 =	sshrl.u32 s8, $0x2  }
0x1b: {  	s8 =	simm.s32 $0x19A00;
	s25 =	sadd.s32 s7, s11;
	s7 =	sadd.s32 s7, s20  }
0x1c: {  	[dreg:$0xb] =	wrdreg s23;
	s23 =	sadd.s32 s9, s2;
	s9 =	simm.s32 $0x19A50  }
0x1d: {  	s13 =	sshrl.u32 s25, $0x3;
	s7 =	sshrl.u32 s7, $0x3;
	s25 =	sshrl.u32 s21, $0x2  }
0x1e: {  	s21 =	sadd.s32 $0x43800, s22;
	s13 =	sadd.s32 s12, s13;
	s7 =	sadd.s32 s12, s7  }
0x1f: {  	s12 =	sadd.s32 $0x38400, s22;
	s5 =	sshrl.u32 s21, $0x2;
	[dreg:$0x8] =	wrdreg s13  }
0x20: {  	[dreg:$0xa] =	wrdreg s7;
	s13 =	sadd.s32 $0x51E00, s1;
	s7 =	sadd.s32 s26, s2  }
0x21: {  	s1 =	sadd.s32 s25, s2;
	s25 =	sadd.s32 s5, s2;
	s5 =	sadd.s32 s20, s2  }
0x22: {  	[dreg:$0xd] =	wrdreg s7;
	s7 =	sadd.s32 $0x21C00, s22;
	s22 =	sadd.s32 $0x4EC00, s22  }
0x23: {  	[dreg:$0xe] =	wrdreg s1;
	s1 =	sshrl.u32 s7, $0x2;
	s26 =	sshrl.u32 s22, $0x2  }
0x24: {  	s7 =	simm.s32 $0x1;
	s1 =	sadd.s32 s1, s2;
	s26 =	sadd.s32 s26, s2  }
0x25: {  	v0 =	vimm.f32 $0.0e+00;
	vm0 =	vmmov $0xf;
	v1 =	vimm.s32 $0x0;
	[dreg:$0x10] =	wrdreg s1;
	s1 =	sshrl.u32 s12, $0x2;
	s12 =	simm.s32 $0x0  }
0x26: {  	v2 =	vimm.s32 $0x1;
	v3 =	vimm.s32 $0x2;
	v4 =	vimm.s32 $0x3;
	s24 =	sadd.s32 s1, s2;
	s1 =	sadd.s32 s11, s2;
	s11 =	simm.s32 $0x19500  }
.LBB2_1:
0x27: {  	s17 =	simm.s32 $0x0;
	s18 =	simm.s32 $0x240  }
.LBB2_2:
0x28: {  	p0 =	sne.s32 s18, $0xB1C0;
	[tilespmem:s17+$0x16880] =	vst v0  }
0x29: {  	[tilespmem:s17+$0x16800] =	vst v0  }
0x2a: {  	[tilespmem:s17+$0x16810] =	vst v0  }
0x2b: {  	[tilespmem:s17+$0x16820] =	vst v0  }
.Ltmp0:
0x2c: {  	[tilespmem:s17+$0x16830] =	vst v0;
	(pc) =	sbr.rel @p0 .LBB2_2-.Ltmp0, $4  }
0x2d: {  	[tilespmem:s17+$0x16840] =	vst v0  }
0x2e: {  	[tilespmem:s17+$0x16850] =	vst v0  }
0x2f: {  	[tilespmem:s17+$0x16860] =	vst v0  }
0x30: {  	[tilespmem:s17+$0x16870] =	vst v0;
	s17 =	sshra.s32 s18, $0x2;
	s18 =	sadd.s32 $0x240, s18  }
0x31: {  	[tilespmem:s17+$0x16880] =	vst v0  }
0x32: {  	[tilespmem:s17+$0x16800] =	vst v0  }
0x33: {  	[tilespmem:s17+$0x16810] =	vst v0  }
0x34: {  	[tilespmem:s17+$0x16820] =	vst v0  }
0x35: {  	[tilespmem:s17+$0x16830] =	vst v0  }
0x36: {  	[tilespmem:s17+$0x16840] =	vst v0  }
0x37: {  	[tilespmem:s17+$0x16850] =	vst v0  }
0x38: {  	[tilespmem:s17+$0x16860] =	vst v0  }
0x39: {  	[tilespmem:s17+$0x16870] =	vst v0;
	s19 =	rddreg [dreg:$0xd]  }
0x3a: {  	[spmem:s19] =	stream.linear.scatter [tilespmem:s6], [sflag:$0x1], $0x2D00, $0x38;
	[tilespmem:$0x19AA0] =	vst v63  }
0x3b: {  	_ =	swait.ge [sflag:s7], $0x2D00  }
0x3c: {  	[sflag:s7] =	ssyncset.done $0x0  }
0x3d: {  	s20 =	rddreg [dreg:$0xe];
	[sflag:s7] =	ssyncadd.s32 $0xFFFFD300  }
0x3e: {  	[spmem:s20] =	stream.linear.scatter [tilespmem:s6], [sflag:$0x1], $0x2D00, $0x38;
	[tilespmem:$0x19AA0] =	vst v63  }
0x3f: {  	_ =	swait.ge [sflag:s7], $0x2D00  }
0x40: {  	[sflag:s7] =	ssyncset.done $0x0  }
0x41: {  	s21 =	rddreg [dreg:$0xf];
	[sflag:s7] =	ssyncadd.s32 $0xFFFFD300  }
0x42: {  	[spmem:s21] =	stream.linear.scatter [tilespmem:s6], [sflag:$0x1], $0x2D00, $0x38;
	[tilespmem:$0x19AA0] =	vst v63  }
0x43: {  	_ =	swait.ge [sflag:s7], $0x2D00  }
0x44: {  	[sflag:s7] =	ssyncset.done $0x0  }
0x45: {  	s22 =	rddreg [dreg:$0x10];
	[sflag:s7] =	ssyncadd.s32 $0xFFFFD300  }
0x46: {  	[spmem:s22] =	stream.linear.scatter [tilespmem:s6], [sflag:$0x1], $0x2D00, $0x38;
	[tilespmem:$0x19AA0] =	vst v63  }
0x47: {  	_ =	swait.ge [sflag:s7], $0x2D00  }
0x48: {  	[sflag:s7] =	ssyncset.done $0x0  }
0x49: {  	[sflag:s7] =	ssyncadd.s32 $0xFFFFD300  }
0x4a: {  	[spmem:s23] =	stream.linear.scatter [tilespmem:s6], [sflag:$0x1], $0x2D00, $0x38;
	[tilespmem:$0x19AA0] =	vst v63  }
0x4b: {  	_ =	swait.ge [sflag:s7], $0x2D00  }
0x4c: {  	[sflag:s7] =	ssyncset.done $0x0  }
0x4d: {  	[sflag:s7] =	ssyncadd.s32 $0xFFFFD300  }
0x4e: {  	[spmem:s24] =	stream.linear.scatter [tilespmem:s6], [sflag:$0x1], $0x2D00, $0x38;
	[tilespmem:$0x19AA0] =	vst v63  }
0x4f: {  	_ =	swait.ge [sflag:s7], $0x2D00  }
0x50: {  	[sflag:s7] =	ssyncset.done $0x0  }
0x51: {  	[sflag:s7] =	ssyncadd.s32 $0xFFFFD300  }
0x52: {  	[spmem:s25] =	stream.linear.scatter [tilespmem:s6], [sflag:$0x1], $0x2D00, $0x38;
	[tilespmem:$0x19AA0] =	vst v63  }
0x53: {  	_ =	swait.ge [sflag:s7], $0x2D00  }
0x54: {  	[sflag:s7] =	ssyncset.done $0x0  }
0x55: {  	[sflag:s7] =	ssyncadd.s32 $0xFFFFD300  }
0x56: {  	[spmem:s26] =	stream.linear.scatter [tilespmem:s6], [sflag:$0x1], $0x2D00, $0x38;
	[tilespmem:$0x19AA0] =	vst v63  }
0x57: {  	_ =	swait.ge [sflag:s7], $0x2D00  }
0x58: {  	[sflag:s7] =	ssyncset.done $0x0  }
0x59: {  	[sflag:s7] =	ssyncadd.s32 $0xFFFFD300  }
0x5a: {  	s17 =	simm.s32 $0x0;
	s18 =	simm.s32 $0x0;
	[bflag:$0x0] =	sbarrier.arrive $0xFFFF  }
.LBB2_4:
0x5b: {  	s19 =	smul.u32 $0x50, s18;
	_ =	sdelay $0x1  }
0x5c: {  	s19 =	sadd.s32 s19, s4  }
0x5d: {  	s19 =	sshrl.u32 s19, $0x3  }
0x5e: {  	s20 =	sadd.s32 s15, s19  }
0x5f: {  	[tilespmem:s8], [sflag:$0x1] =	stream.linear.gather [hbm4b:s20+s17], $0x50, $0x38;
	[tilespmem:$0x19AA0] =	vst v63  }
0x60: {  	_ =	swait.ge [sflag:s7], $0x50  }
0x61: {  	[sflag:s7] =	ssyncset.done $0x0  }
0x62: {  	s19 =	sadd.s32 s16, s19;
	[sflag:s7] =	ssyncadd.s32 $0xFFFFFFB0  }
0x63: {  	[tilespmem:s9], [sflag:$0x1] =	stream.linear.gather [hbm4b:s19+s17], $0x50, $0x38;
	[tilespmem:$0x19AA0] =	vst v63  }
0x64: {  	_ =	swait.ge [sflag:s7], $0x50  }
0x65: {  	[sflag:s7] =	ssyncset.done $0x0  }
0x66: {  	[sflag:s7] =	ssyncadd.s32 $0xFFFFFFB0  }
0x67: {  	[tilespmem:s6], [sflag:$0x1] =	stream.indirect.gather [hbm4b:s13+s10], $0x90, s8, s10, $0xb8;
	[tilespmem:$0x19AA0] =	vst v63  }
0x68: {  	_ =	swait.ge [sflag:s7], $0x2D00  }
0x69: {  	[sflag:s7] =	ssyncset.done $0x0  }
0x6a: {  	[sflag:s7] =	ssyncadd.s32 $0xFFFFD300  }
0x6b: {  	[tilespmem:s11], [sflag:$0x1] =	stream.indirect.gather [hbm4b:s14+s10], $0x10, s9, s10, $0xb8;
	[tilespmem:$0x19AA0] =	vst v63  }
0x6c: {  	_ =	swait.ge [sflag:s7], $0x500  }
0x6d: {  	[sflag:s7] =	ssyncset.done $0x0  }
0x6e: {  	s19 =	simm.s32 $0x16840;
	[sflag:s7] =	ssyncadd.s32 $0xFFFFFB00  }
0x6f: {  	s22 =	simm.s32 $0x0;
	s21 =	simm.s32 $0x40;
	s20 =	simm.s32 $0x16840;
	v5 =	vld [tilespmem:s19+$0x40]  }
.LBB2_5:
0x70: {  	p0 =	sne.s32 s21, $0x13C0;
	v6 =	vld [tilespmem:s22+$0x19500];
	_ =	sdelay $0x4  }
0x71: {  	v5 =	vadd.f32 v6, v5;
	_ =	sdelay $0x1  }
0x72: {  	v6 =	vmul.f32 $2.000000030e-01, v5  }
0x73: {  	vm1 =	vgt.f32 v5, $0.0e+00  }
0x74: {  	v5 =	vsel vm1, v5, v6  }
0x75: {  	v5 =	vmul.f32 $1.442695020e+00, v5;
	_ =	sdelay $0x1  }
0x76: {  	(erf) = vpow2.f32 v5;
	_ =	sdelay $0x3  }
0x77: {  	v5 =	vld [tilespmem:s19+$0xFFFFFFF0]  }
0x78: {  	v6 =	vld [tilespmem:s19+$0x30]  }
0x79: {  	v7 =	vld [tilespmem:s19+$0x20]  }
0x7a: {  	v8 =	vld [tilespmem:s19+$0x10]  }
0x7b: {  	v9 =	vld [tilespmem:s19+$0x0]  }
0x7c: {  	v10 =	vld [tilespmem:s19+$0xFFFFFFE0];
	v11 =	vpop (erf)  }
0x7d: {  	v11 =	vnsel vm0, $0x0, v11;
	v12 =	vld [tilespmem:s19+$0xFFFFFFD0]  }
0x7e: {  	[tilespmem:s19+$0x40] =	vst v11;
	v13 =	vld [tilespmem:s19+$0xFFFFFFC0];
	v14 =	vperm.xlane v11, v3;
	v15 =	vperm.xlane v11, v4  }
0x7f: {  	v16 =	vperm.xlane v11, v1;
	v11 =	vperm.xlane v11, v2  }
0x80: {  	v7 =	vmul.f32 v7, v15;
	v6 =	vmul.f32 v6, v15  }
0x81: {  	v9 =	vmul.f32 v9, v14;
	v8 =	vmul.f32 v8, v14  }
0x82: {  	v5 =	vmul.f32 v5, v11;
	v10 =	vmul.f32 v10, v11;
	[tilespmem:s19+$0x30] =	vst v6  }
0x83: {  	v11 =	vmul.f32 v12, v16;
	v6 =	vmul.f32 v13, v16;
	[tilespmem:s19+$0x20] =	vst v7  }
0x84: {  	[tilespmem:s19+$0x10] =	vst v8  }
.Ltmp1:
0x85: {  	[tilespmem:s19+$0x0] =	vst v9;
	(pc) =	sbr.rel @p0 .LBB2_5-.Ltmp1, $4  }
0x86: {  	[tilespmem:s19+$0xFFFFFFF0] =	vst v5  }
0x87: {  	[tilespmem:s19+$0xFFFFFFE0] =	vst v10  }
0x88: {  	s19 =	sadd.s32 $0x90, s19;
	[tilespmem:s20+$0xFFFFFFD0] =	vst v11  }
0x89: {  	s22 =	sshra.s32 s21, $0x2;
	s21 =	sadd.s32 $0x40, s21;
	v5 =	vld [tilespmem:s19+$0x40];
	[tilespmem:s20+$0xFFFFFFC0] =	vst v6;
	s20 =	smov.u32 s19  }
0x8a: {  	v6 =	vld [tilespmem:s22+$0x19500];
	_ =	sdelay $0x4  }
0x8b: {  	v5 =	vadd.f32 v6, v5;
	_ =	sdelay $0x1  }
0x8c: {  	v6 =	vmul.f32 $2.000000030e-01, v5  }
0x8d: {  	vm1 =	vgt.f32 v5, $0.0e+00  }
0x8e: {  	v5 =	vsel vm1, v5, v6  }
0x8f: {  	v5 =	vmul.f32 $1.442695020e+00, v5;
	_ =	sdelay $0x1  }
0x90: {  	(erf) = vpow2.f32 v5;
	_ =	sdelay $0x7  }
0x91: {  	v5 =	vld [tilespmem:s19+$0x30]  }
0x92: {  	v6 =	vld [tilespmem:s19+$0x20];
	v7 =	vpop (erf)  }
0x93: {  	v8 =	vld [tilespmem:s19+$0x10];
	v7 =	vnsel vm0, $0x0, v7  }
0x94: {  	v12 =	vld [tilespmem:s19+$0xFFFFFFE0];
	v10 =	vperm.xlane v7, v4  }
0x95: {  	v9 =	vld [tilespmem:s19+$0x0]  }
0x96: {  	v11 =	vld [tilespmem:s19+$0xFFFFFFF0];
	v13 =	vperm.xlane v7, v3;
	v5 =	vmul.f32 v5, v10  }
0x97: {  	v14 =	vld [tilespmem:s19+$0xFFFFFFD0];
	[tilespmem:s19+$0x40] =	vst v7;
	v15 =	vperm.xlane v7, v2;
	v6 =	vmul.f32 v6, v10  }
0x98: {  	v62 =	vld [tilespmem:s19+$0xFFFFFFC0];
	v8 =	vmul.f32 v8, v13;
	[tilespmem:s19+$0x30] =	vst v5  }
0x99: {  	v63 =	vmul.f32 v12, v15;
	[tilespmem:s19+$0x20] =	vst v6  }
0x9a: {  	v5 =	vmul.f32 v9, v13;
	v6 =	vperm.xlane v7, v1;
	[tilespmem:s19+$0x10] =	vst v8  }
0x9b: {  	v7 =	vmul.f32 v11, v15;
	[tilespmem:s19+$0xFFFFFFE0] =	vst v63  }
0x9c: {  	[tilespmem:s19+$0x0] =	vst v5;
	v5 =	vmul.f32 v14, v6  }
0x9d: {  	s18 =	sadd.s32 $0x1, s18;
	[tilespmem:s19+$0xFFFFFFF0] =	vst v7;
	v6 =	vmul.f32 v62, v6  }
0x9e: {  	p0 =	sne.s32 s18, $0x7D;
	[tilespmem:s20+$0xFFFFFFD0] =	vst v5  }
.Ltmp2:
0x9f: {  	[tilespmem:s20+$0xFFFFFFC0] =	vst v6;
	(pc) =	sbr.rel @p0 .LBB2_4-.Ltmp2, $4  }
0xa0: {  	[spmem:s2] =	stream.indirect.scatter.add.f32 [tilespmem:s6], [sflag:$0x1], $0x90, s9, s10, $0xb8;
	[tilespmem:$0x19AA0] =	vst v63  }
0xa1: {  	_ =	swait.ge [sflag:s7], $0x2D00  }
0xa2: {  	[sflag:s7] =	ssyncset.done $0x0  }
0xa3: {  	[sflag:s7] =	ssyncadd.s32 $0xFFFFD300  }
0xa4: {  	[bflag:$0x0] =	sbarrier.arrive $0xFFFF  }
0xa5: {  	s17 =	rddreg [dreg:$0xb]  }
0xa6: {  	[tilespmem:s6], [sflag:$0x1] =	stream.linear.gather [spmem:s17], $0x2D00, $0x38;
	[tilespmem:$0x19AA0] =	vst v63  }
0xa7: {  	_ =	swait.ge [sflag:s7], $0x2D00  }
0xa8: {  	[sflag:s7] =	ssyncset.done $0x0  }
0xa9: {  	s19 =	rddreg [dreg:$0x3];
	[sflag:s7] =	ssyncadd.s32 $0xFFFFD300  }
0xaa: {  	[hbm4b:s19+s3] =	stream.linear.scatter [tilespmem:s6], [sflag:$0x1], $0x2D00, $0x38;
	[tilespmem:$0x19AA0] =	vst v63  }
0xab: {  	_ =	swait.ge [sflag:s7], $0x2D00  }
0xac: {  	[sflag:s7] =	ssyncset.done $0x0  }
0xad: {  	[sflag:s7] =	ssyncadd.s32 $0xFFFFD300  }
0xae: {  	[tilespmem:s6], [sflag:$0x1] =	stream.linear.gather [spmem:s28], $0x2D00, $0x38;
	[tilespmem:$0x19AA0] =	vst v63  }
0xaf: {  	_ =	swait.ge [sflag:s7], $0x2D00  }
0xb0: {  	[sflag:s7] =	ssyncset.done $0x0  }
0xb1: {  	s20 =	rddreg [dreg:$0x4];
	[sflag:s7] =	ssyncadd.s32 $0xFFFFD300  }
0xb2: {  	[hbm4b:s20+s3] =	stream.linear.scatter [tilespmem:s6], [sflag:$0x1], $0x2D00, $0x38;
	[tilespmem:$0x19AA0] =	vst v63  }
0xb3: {  	_ =	swait.ge [sflag:s7], $0x2D00  }
0xb4: {  	[sflag:s7] =	ssyncset.done $0x0  }
0xb5: {  	[sflag:s7] =	ssyncadd.s32 $0xFFFFD300  }
0xb6: {  	[tilespmem:s6], [sflag:$0x1] =	stream.linear.gather [spmem:s29], $0x2D00, $0x38;
	[tilespmem:$0x19AA0] =	vst v63  }
0xb7: {  	_ =	swait.ge [sflag:s7], $0x2D00  }
0xb8: {  	[sflag:s7] =	ssyncset.done $0x0  }
0xb9: {  	s21 =	rddreg [dreg:$0x5];
	[sflag:s7] =	ssyncadd.s32 $0xFFFFD300  }
0xba: {  	[hbm4b:s21+s3] =	stream.linear.scatter [tilespmem:s6], [sflag:$0x1], $0x2D00, $0x38;
	[tilespmem:$0x19AA0] =	vst v63  }
0xbb: {  	_ =	swait.ge [sflag:s7], $0x2D00  }
0xbc: {  	[sflag:s7] =	ssyncset.done $0x0  }
0xbd: {  	[sflag:s7] =	ssyncadd.s32 $0xFFFFD300  }
0xbe: {  	[tilespmem:s6], [sflag:$0x1] =	stream.linear.gather [spmem:s30], $0x2D00, $0x38;
	[tilespmem:$0x19AA0] =	vst v63  }
0xbf: {  	_ =	swait.ge [sflag:s7], $0x2D00  }
0xc0: {  	[sflag:s7] =	ssyncset.done $0x0  }
0xc1: {  	s22 =	rddreg [dreg:$0x6];
	[sflag:s7] =	ssyncadd.s32 $0xFFFFD300  }
0xc2: {  	[hbm4b:s22+s3] =	stream.linear.scatter [tilespmem:s6], [sflag:$0x1], $0x2D00, $0x38;
	[tilespmem:$0x19AA0] =	vst v63  }
0xc3: {  	_ =	swait.ge [sflag:s7], $0x2D00  }
0xc4: {  	[sflag:s7] =	ssyncset.done $0x0  }
0xc5: {  	[sflag:s7] =	ssyncadd.s32 $0xFFFFD300  }
0xc6: {  	[tilespmem:s6], [sflag:$0x1] =	stream.linear.gather [spmem:s31], $0x2D00, $0x38;
	[tilespmem:$0x19AA0] =	vst v63  }
0xc7: {  	_ =	swait.ge [sflag:s7], $0x2D00  }
0xc8: {  	[sflag:s7] =	ssyncset.done $0x0  }
0xc9: {  	s18 =	rddreg [dreg:$0x7];
	[sflag:s7] =	ssyncadd.s32 $0xFFFFD300  }
0xca: {  	[hbm4b:s18+s3] =	stream.linear.scatter [tilespmem:s6], [sflag:$0x1], $0x2D00, $0x38;
	[tilespmem:$0x19AA0] =	vst v63  }
0xcb: {  	_ =	swait.ge [sflag:s7], $0x2D00  }
0xcc: {  	[sflag:s7] =	ssyncset.done $0x0  }
0xcd: {  	[sflag:s7] =	ssyncadd.s32 $0xFFFFD300  }
0xce: {  	[tilespmem:s6], [sflag:$0x1] =	stream.linear.gather [spmem:s1], $0x2D00, $0x38;
	[tilespmem:$0x19AA0] =	vst v63  }
0xcf: {  	_ =	swait.ge [sflag:s7], $0x2D00  }
0xd0: {  	[sflag:s7] =	ssyncset.done $0x0  }
0xd1: {  	s19 =	rddreg [dreg:$0x8];
	[sflag:s7] =	ssyncadd.s32 $0xFFFFD300  }
0xd2: {  	[hbm4b:s19+s3] =	stream.linear.scatter [tilespmem:s6], [sflag:$0x1], $0x2D00, $0x38;
	[tilespmem:$0x19AA0] =	vst v63  }
0xd3: {  	_ =	swait.ge [sflag:s7], $0x2D00  }
0xd4: {  	[sflag:s7] =	ssyncset.done $0x0  }
0xd5: {  	[sflag:s7] =	ssyncadd.s32 $0xFFFFD300  }
0xd6: {  	[tilespmem:s6], [sflag:$0x1] =	stream.linear.gather [spmem:s0], $0x2D00, $0x38;
	[tilespmem:$0x19AA0] =	vst v63  }
0xd7: {  	_ =	swait.ge [sflag:s7], $0x2D00  }
0xd8: {  	[sflag:s7] =	ssyncset.done $0x0  }
0xd9: {  	s20 =	rddreg [dreg:$0x9];
	[sflag:s7] =	ssyncadd.s32 $0xFFFFD300  }
0xda: {  	[hbm4b:s20+s3] =	stream.linear.scatter [tilespmem:s6], [sflag:$0x1], $0x2D00, $0x38;
	[tilespmem:$0x19AA0] =	vst v63  }
0xdb: {  	_ =	swait.ge [sflag:s7], $0x2D00  }
0xdc: {  	[sflag:s7] =	ssyncset.done $0x0  }
0xdd: {  	[sflag:s7] =	ssyncadd.s32 $0xFFFFD300  }
0xde: {  	[tilespmem:s6], [sflag:$0x1] =	stream.linear.gather [spmem:s5], $0x2D00, $0x38;
	[tilespmem:$0x19AA0] =	vst v63  }
0xdf: {  	_ =	swait.ge [sflag:s7], $0x2D00  }
0xe0: {  	[sflag:s7] =	ssyncset.done $0x0  }
0xe1: {  	s21 =	rddreg [dreg:$0xa];
	[sflag:s7] =	ssyncadd.s32 $0xFFFFD300  }
0xe2: {  	[hbm4b:s21+s3] =	stream.linear.scatter [tilespmem:s6], [sflag:$0x1], $0x2D00, $0x38;
	[tilespmem:$0x19AA0] =	vst v63  }
0xe3: {  	_ =	swait.ge [sflag:s7], $0x2D00  }
0xe4: {  	s12 =	sadd.s32 $0x1, s12;
	s22 =	rddreg [dreg:$0xc]  }
0xe5: {  	p0 =	sne.s32 s12, s22  }
.Ltmp3:
0xe6: {  	_ = 	snop;
	(pc) =	sbr.rel @p0 .LBB2_1-.Ltmp3, $3  }
0xe7: {  	_ =	sdelay $0x1  }
0xe8: {  	[sflag:s7] =	ssyncset.done $0x0  }
0xe9: {  	[sflag:s7] =	ssyncadd.s32 $0xFFFFD300  }
0xea: {  	_ =	sfence.sel $0x180000  }
0xeb: {  	[bflag:$0x0] =	sbarrier.arrive $0xFFFF  }
0xec: {  	_ =	strace $0x90000047  }
0xed: {  	s0 =	stileid.u32;
	[bflag:$0x2] =	sbarrier.arrive $0xFFFF  }
0xee: {  	p0 =	sne.s32 s0, $0x0;
	s0 =	rddreg [dreg:$0x2]  }
0xef: {  	s0 =	sadd.s32 @!p0 $0x100000, s0  }
0xf0: {  	[sflag:s0] =	ssyncadd.tile.s32 @!p0 $0x1;
	_ =	shalt  }
.Lfunc_end2:
_tile_overlayer_lowered:
.L_overlay_start_2:
0xf1: {  	(tag) =	ssettag $0x2  }
0xf2: {  	s0 =	rddreg [dreg:$0x0];
	s2 =	stileid.u32  }
0xf3: {  	s1 =	rddreg [dreg:$0x1];
	p0 =	sne.s32 s2, $0x0  }
0xf4: {  	s3 =	rddreg [dreg:$0x2];
	[bflag:$0x3] =	sbarrier.arrive $0xFFFF;
	s2 =	simm.s32 @!p0 $0x1C01  }
0xf5: {  	[timem:s3], [sflag:s2] =	dma.local @!p0 [hbm:s0], s1  }
0xf6: {  	s0 =	simm.s32 @!p0 $0x1  }
0xf7: {  	_ =	swait.ge @!p0 [sflag:s0], s1  }
0xf8: {  	s1 =	ssub.s32 @!p0 $0x0, s1;
	[sflag:s0] =	ssyncset.done @!p0 $0x0  }
0xf9: {  	[sflag:s0] =	ssyncadd.s32 @!p0 s1  }
0xfa: {  	[bflag:$0x3] =	sbarrier.arrive $0xFFFF  }
0xfb: {  	_ =	shalt  }

</sc_bundles>
